<compile_context>
chip_gen: v7x
topology: tpu7x:2x2x1
jax: 0.10.2.dev20260603
libtpu: 0.0.44.dev20260713+nightly
codegen_flags: <defaults>
</compile_context>

<pallas_src>
import functools

import jax
import jax.numpy as jnp
from jax import lax
from jax.experimental import pallas as pl
from jax.experimental.pallas import tpu as pltpu
from jax.experimental.pallas import tpu_sc as plsc

N = 10000
E = 160000
IN_C = 16
OUT_C = 16
D_EDGE = 8
H = 100
HP = 128
KC = IN_C * OUT_C
LW = 128

NC = 2
NS = 16
NW = NC * NS
E_PAD = 163840
EPW = E_PAD // NW
CH = 128
NCHUNK = EPW // CH
N_PAD = 10240
RPW = N_PAD // NS

_sc_mesh = plsc.VectorSubcoreMesh(core_axis_name="c", subcore_axis_name="s")


@functools.partial(
    pl.kernel,
    mesh=_sc_mesh,
    out_type=jax.ShapeDtypeStruct((E_PAD, IN_C), jnp.bfloat16),
    scratch_types=[
        pltpu.VMEM((NCHUNK, CH), jnp.int32),
        pltpu.VMEM((EPW, IN_C), jnp.bfloat16),
        pltpu.SemaphoreType.DMA,
    ],
    compiler_params=pltpu.CompilerParams(use_tc_tiling_on_sc=False),
)
def _sc_gather(x_hbm, src_hbm, xj_hbm, idx_v, rows_v, sem):
    c = lax.axis_index("c")
    s = lax.axis_index("s")
    wid = c * NS + s
    pltpu.sync_copy(src_hbm.at[pl.ds(wid * NCHUNK, NCHUNK)], idx_v)

    def issue(j, carry):
        pltpu.async_copy(x_hbm.at[idx_v.at[j]], rows_v.at[pl.ds(j * CH, CH)], sem)
        return carry

    lax.fori_loop(0, NCHUNK, issue, 0)

    def drain(j, carry):
        pltpu.make_async_copy(
            x_hbm.at[idx_v.at[j]], rows_v.at[pl.ds(j * CH, CH)], sem
        ).wait()
        return carry

    lax.fori_loop(0, NCHUNK, drain, 0)
    pltpu.sync_copy(rows_v, xj_hbm.at[pl.ds(wid * EPW, EPW)])


@functools.partial(
    pl.kernel,
    mesh=_sc_mesh,
    out_type=(
        jax.ShapeDtypeStruct((NC * N_PAD, OUT_C), jnp.float32),
        jax.ShapeDtypeStruct((NC * N_PAD, OUT_C), jnp.float32),
    ),
    scratch_types=[
        pltpu.VMEM((NCHUNK, CH), jnp.int32),
        pltpu.VMEM((IN_C, EPW), jnp.float32),
        pltpu.VMEM((CH, OUT_C), jnp.float32),
        pltpu.VMEM((CH, OUT_C), jnp.float32),
        pltpu.VMEM_SHARED((N_PAD, OUT_C), jnp.float32),
        pltpu.VMEM_SHARED((N_PAD, OUT_C), jnp.float32),
    ],
    compiler_params=pltpu.CompilerParams(use_tc_tiling_on_sc=False,
                                         needs_layout_passes=False),
)
def _sc_scatter(msg_hbm, dst_hbm, zeros_hbm, ones_hbm,
                acc_out, cnt_out, idx_v, msgt_v, msgf_v, ones_v, acc_sh, cnt_sh):
    c = lax.axis_index("c")
    s = lax.axis_index("s")
    wid = c * NS + s
    base = wid * EPW
    pltpu.sync_copy(dst_hbm.at[pl.ds(wid * NCHUNK, NCHUNK)], idx_v)
    for q in range(IN_C):
        pltpu.sync_copy(msg_hbm.at[q].at[pl.ds(base, EPW)], msgt_v.at[q])
    pltpu.sync_copy(ones_hbm, ones_v)

    @pl.when(s == 0)
    def _():
        pltpu.sync_copy(zeros_hbm, acc_sh)
        pltpu.sync_copy(zeros_hbm, cnt_sh)

    plsc.subcore_barrier()
    chan_ix = lax.iota(jnp.int32, 16)

    def body(j, carry):
        def edge(r, carry2):
            col = jnp.full((16,), j * CH + r, jnp.int32)
            msgf_v[r, :] = plsc.load_gather(msgt_v, [chan_ix, col])
            return carry2

        lax.fori_loop(0, CH, edge, 0)
        row = idx_v.at[j]
        pltpu.sync_copy(msgf_v, acc_sh.at[row], add=True)
        pltpu.sync_copy(ones_v, cnt_sh.at[row], add=True)
        return carry

    lax.fori_loop(0, NCHUNK, body, 0)
    plsc.subcore_barrier()

    out_off = c * N_PAD + s * RPW
    pltpu.sync_copy(acc_sh.at[pl.ds(s * RPW, RPW)], acc_out.at[pl.ds(out_off, RPW)])
    pltpu.sync_copy(cnt_sh.at[pl.ds(s * RPW, RPW)], cnt_out.at[pl.ds(out_off, RPW)])


BE = 2048
GRID = E_PAD // BE


def _mlp_body(ea_ref, xj_ref, w1, b1, w2, b2, w3, b3, w4, b4, r_ref, s_ref,
              msg_ref):
    f32 = jnp.float32
    bf16 = jnp.bfloat16

    def mm(a, b):
        return jnp.dot(a.astype(bf16), b.astype(bf16), preferred_element_type=f32)

    h1 = lax.dot_general(ea_ref[...], w1[...].astype(bf16),
                         (((0,), (0,)), ((), ())),
                         preferred_element_type=f32)
    h = jnp.maximum(h1 + b1[...], 0.0)
    h = jnp.maximum(mm(h, w2[...]) + b2[...], 0.0)
    h = jnp.maximum(mm(h, w3[...]) + b3[...], 0.0)
    z = mm(h, w4[...]) + b4[...]
    xe = jnp.dot(xj_ref[...], r_ref[...].astype(bf16),
                 preferred_element_type=f32)
    p = (z * xe).astype(bf16)
    msg_ref[...] = lax.dot_general(s_ref[...].astype(bf16), p,
                                   (((0,), (1,)), ((), ())),
                                   preferred_element_type=f32)


_mlp_call = pl.pallas_call(
    _mlp_body,
    grid=(GRID,),
    in_specs=[
        pl.BlockSpec((D_EDGE, BE), lambda i: (0, i)),
        pl.BlockSpec((BE, IN_C), lambda i: (i, 0)),
        pl.BlockSpec((D_EDGE, HP), lambda i: (0, 0)),
        pl.BlockSpec((1, HP), lambda i: (0, 0)),
        pl.BlockSpec((HP, HP), lambda i: (0, 0)),
        pl.BlockSpec((1, HP), lambda i: (0, 0)),
        pl.BlockSpec((HP, HP), lambda i: (0, 0)),
        pl.BlockSpec((1, HP), lambda i: (0, 0)),
        pl.BlockSpec((HP, KC), lambda i: (0, 0)),
        pl.BlockSpec((1, KC), lambda i: (0, 0)),
        pl.BlockSpec((IN_C, KC), lambda i: (0, 0)),
        pl.BlockSpec((KC, OUT_C), lambda i: (0, 0)),
    ],
    out_specs=pl.BlockSpec((OUT_C, BE), lambda i: (0, i)),
    out_shape=jax.ShapeDtypeStruct((OUT_C, E_PAD), jnp.float32),
)


def _final_body(a0, a1, c0, c1, x_ref, rw, bias_ref, out_ref):
    cnt = jnp.maximum(c0[...] + c1[...], 1.0)
    aggr = (a0[...] + a1[...]) / cnt
    out_ref[...] = aggr + jnp.dot(x_ref[...], rw[...],
                                  preferred_element_type=jnp.float32) + bias_ref[...]


_final_call = pl.pallas_call(
    _final_body,
    out_shape=jax.ShapeDtypeStruct((N, OUT_C), jnp.float32),
)


def kernel(x, edge_index, edge_attr, W1, b1, W2, b2, W3, b3, W4, b4, root_w, bias):
    f32 = jnp.float32
    pad_e = E_PAD - E
    src = edge_index[0].astype(jnp.int32)
    dst = edge_index[1].astype(jnp.int32)
    src_p = jnp.concatenate([src, jnp.zeros((pad_e,), jnp.int32)]
                            ).reshape(E_PAD // CH, CH)
    dst_p = jnp.concatenate([dst, jnp.full((pad_e,), N, jnp.int32)]
                            ).reshape(E_PAD // CH, CH)
    ea_t = jnp.pad(edge_attr, ((0, pad_e), (0, 0))).T.astype(jnp.bfloat16)
    x_bf = x.astype(jnp.bfloat16)

    W1p = jnp.pad(W1, ((0, 0), (0, HP - H)))
    b1p = jnp.pad(b1, (0, HP - H)).reshape(1, HP)
    W2p = jnp.pad(W2, ((0, HP - H), (0, HP - H)))
    b2p = jnp.pad(b2, (0, HP - H)).reshape(1, HP)
    W3p = jnp.pad(W3, ((0, HP - H), (0, HP - H)))
    b3p = jnp.pad(b3, (0, HP - H)).reshape(1, HP)
    W4p = jnp.pad(W4, ((0, HP - H), (0, 0)))
    b4p = b4.reshape(1, KC)

    R = jnp.repeat(jnp.eye(IN_C, dtype=f32), OUT_C, axis=1)
    S = jnp.tile(jnp.eye(OUT_C, dtype=f32), (IN_C, 1))
    zeros_nb = jnp.zeros((N_PAD, OUT_C), f32)
    ones_ch = jnp.ones((CH, OUT_C), f32)

    x_j = _sc_gather(x_bf, src_p)
    msg = _mlp_call(ea_t, x_j, W1p, b1p, W2p, b2p, W3p, b3p, W4p, b4p, R, S)
    acc, cnt = _sc_scatter(msg, dst_p, zeros_nb, ones_ch)
    a0, a1 = acc[:N], acc[N_PAD:N_PAD + N]
    c0, c1 = cnt[:N], cnt[N_PAD:N_PAD + N]
    return _final_call(a0, a1, c0, c1, x, root_w, bias)

# --- scband reference (transcript-rebuilt; emitter-appended) ---
"""Pipeline reference for scband-gno-68238440399283 (READ-ONLY COPY).

The authoritative reference and input builder live on the scoring server;
editing this copy changes nothing except your own understanding.
"""

import jax, jax.numpy as jnp
import numpy as np

N = 10000
E = 160000
IN_C = 16
OUT_C = 16
D_EDGE = 8
H = 100


def _lin_init(key, fan_in, shape):
    bound = 1.0 / np.sqrt(fan_in)
    return jax.random.uniform(key, shape, jnp.float32, -bound, bound)


def setup_inputs(seed: int = 0) -> dict:
    key = jax.random.key(seed)
    ks = jax.random.split(key, 16)
    x = jax.random.normal(ks[0], (N, IN_C), dtype=jnp.float32)
    edge_index = jax.random.randint(ks[1], (2, E), 0, N)
    edge_attr = jax.random.uniform(ks[2], (E, D_EDGE), dtype=jnp.float32)
    # edge-network MLP params: 8 -> 100 -> 100 -> 100 -> in_c*out_c
    W1 = _lin_init(ks[3], D_EDGE, (D_EDGE, H)); b1 = _lin_init(ks[4], D_EDGE, (H,))
    W2 = _lin_init(ks[5], H, (H, H)); b2 = _lin_init(ks[6], H, (H,))
    W3 = _lin_init(ks[7], H, (H, H)); b3 = _lin_init(ks[8], H, (H,))
    W4 = _lin_init(ks[9], H, (H, IN_C * OUT_C)); b4 = _lin_init(ks[10], H, (IN_C * OUT_C,))
    # NNConv root linear (no bias) + conv bias
    root_w = _lin_init(ks[11], IN_C, (IN_C, OUT_C))
    bias = _lin_init(ks[12], IN_C, (OUT_C,))
    return {"x": x, "edge_index": edge_index, "edge_attr": edge_attr,
            "W1": W1, "b1": b1, "W2": W2, "b2": b2, "W3": W3, "b3": b3,
            "W4": W4, "b4": b4, "root_w": root_w, "bias": bias}


def reference(x, edge_index, edge_attr, W1, b1, W2, b2, W3, b3, W4, b4, root_w, bias):
    # edge network: edge_attr [E,8] -> per-edge weight matrix [E, in_c, out_c]
    h = jax.nn.relu(edge_attr @ W1 + b1)
    h = jax.nn.relu(h @ W2 + b2)
    h = jax.nn.relu(h @ W3 + b3)
    w_edge = (h @ W4 + b4).reshape(-1, IN_C, OUT_C)
    src = edge_index[0]
    dst = edge_index[1]
    # message: x_j (source node feats) transformed by per-edge weight
    x_j = jnp.take(x, src, axis=0)
    msg = jnp.einsum("ei,eio->eo", x_j, w_edge)
    # aggr='mean' over destination nodes
    summed = jax.ops.segment_sum(msg, dst, num_segments=N)
    cnt = jax.ops.segment_sum(jnp.ones((E,), dtype=jnp.float32), dst, num_segments=N)
    aggr = summed / jnp.clip(cnt, 1.0, None)[:, None]
    # root weight + bias
    out = aggr + x @ root_w + bias
    return out

if __name__ == "__main__":
    import jax
    _d = setup_inputs()
    print(jax.jit(kernel)(*tuple(_d.values())))

</pallas_src>

<mosaic_0001>
#map = affine_map<(d0, d1) -> (0, 0)>
module attributes {stable_mosaic.version = 14 : i64} {
  func.func @_sc_gather(%arg0: i32, %arg1: i32, %arg2: memref<10000x16xbf16, #tpu.memory_space<hbm>>, %arg3: memref<1280x128xi32, #tpu.memory_space<hbm>>, %arg4: memref<163840x16xbf16, #tpu.memory_space<hbm>>, %arg5: memref<40x128xi32, #tpu.memory_space<vmem>>, %arg6: memref<5120x16xbf16, #tpu.memory_space<vmem>>, %arg7: memref<!tpu.dma_semaphore, #tpu.memory_space<semaphore_mem>>) attributes {dimension_semantics = [#tpu.dimension_semantics<core_parallel>, #tpu.dimension_semantics<subcore_parallel>], iteration_bounds = array<i64: 2, 16>, scalar_prefetch = 0 : i64, scratch_operands = 3 : i64, tpu.core_type = #tpu.core_type<sc_vector_subcore>, window_params = [{transform_indices = #map}, {transform_indices = #map}, {transform_indices = #map}]} {
    %mul3A = arith.constant 16 : i32
    %mul3A_0 = arith.muli %arg0, %mul3A : i32
    %add3A = arith.addi %mul3A_0, %arg1 : i32
    %mul3A_1 = arith.constant 40 : i32
    %mul3A_2 = arith.muli %add3A, %mul3A_1 : i32
    "tpu.region"() ({
      %run_scoped3A = tpu.sem_alloc : memref<!tpu.dma_semaphore, #tpu.memory_space<semaphore_mem>>
      %dma_start3A = arith.constant 0 : i32
      %dma_start3A_16 = tpu.memref_slice %arg3[%mul3A_2, %dma_start3A] : memref<1280x128xi32, #tpu.memory_space<hbm>> -> memref<40x128xi32, #tpu.memory_space<hbm>>
      %dma_start3A_17 = arith.constant 0 : i32
      %dma_start3A_18 = tpu.memref_slice %arg3[%mul3A_2, %dma_start3A_17] : memref<1280x128xi32, #tpu.memory_space<hbm>> -> memref<40x128xi32, #tpu.memory_space<hbm>>
      tpu.enqueue_dma source(%dma_start3A_18 : memref<40x128xi32, #tpu.memory_space<hbm>>) target(%arg5 : memref<40x128xi32, #tpu.memory_space<vmem>>) target_semaphore(%run_scoped3A : memref<!tpu.dma_semaphore, #tpu.memory_space<semaphore_mem>>)
      %dma_wait3A = arith.constant 0 : i32
      %dma_wait3A_19 = tpu.memref_slice %arg3[%mul3A_2, %dma_wait3A] : memref<1280x128xi32, #tpu.memory_space<hbm>> -> memref<40x128xi32, #tpu.memory_space<hbm>>
      %dma_wait3A_20 = arith.constant 0 : i32
      %dma_wait3A_21 = tpu.memref_slice %arg3[%mul3A_2, %dma_wait3A_20] : memref<1280x128xi32, #tpu.memory_space<hbm>> -> memref<40x128xi32, #tpu.memory_space<hbm>>
      tpu.wait_dma2 semaphore(%run_scoped3A : memref<!tpu.dma_semaphore, #tpu.memory_space<semaphore_mem>>) src(%dma_wait3A_21 : memref<40x128xi32, #tpu.memory_space<hbm>>) dst(%arg5 : memref<40x128xi32, #tpu.memory_space<vmem>>)
      tpu.yield
    }) : () -> ()
    %scan3A = arith.constant 0 : i32
    %scan3A_3 = arith.constant 0 : i32
    %scan3A_4 = arith.constant 40 : i32
    %scan3A_5 = arith.addi %scan3A_3, %scan3A_4 : i32
    %scan3A_6 = arith.constant 1 : i32
    scf.for %scan3A_16 = %scan3A_3 to %scan3A_5 step %scan3A_6  : i32 {
      %mul3A_17 = arith.constant 128 : i32
      %mul3A_18 = arith.muli %scan3A_16, %mul3A_17 : i32
      %dma_start3A = arith.constant 0 : i32
      %dma_start3A_19 = tpu.memref_slice %arg6[%mul3A_18, %dma_start3A] : memref<5120x16xbf16, #tpu.memory_space<vmem>> -> memref<128x16xbf16, #tpu.memory_space<vmem>>
      %dma_start3A_20 = arith.constant 0 : i32
      %dma_start3A_21 = tpu.memref_slice %arg5[%scan3A_16, %dma_start3A_20] : memref<40x128xi32, #tpu.memory_space<vmem>> -> memref<1x128xi32, #tpu.memory_space<vmem>>
      %dma_start3A_22 = tpu.memref_squeeze %dma_start3A_21 : memref<1x128xi32, #tpu.memory_space<vmem>> -> memref<128xi32, #tpu.memory_space<vmem>>
      %dma_start3A_23 = arith.constant 0 : i32
      %dma_start3A_24 = arith.constant 0 : i32
      %dma_start3A_25 = tpu.memref_slice %arg2[%dma_start3A_23, %dma_start3A_24] : memref<10000x16xbf16, #tpu.memory_space<hbm>> -> memref<10000x16xbf16, #tpu.memory_space<hbm>>
      tpu.enqueue_indirect_dma source(%dma_start3A_25 : memref<10000x16xbf16, #tpu.memory_space<hbm>>) target(%dma_start3A_19 : memref<128x16xbf16, #tpu.memory_space<vmem>>) offsets(%dma_start3A_22 : memref<128xi32, #tpu.memory_space<vmem>>) semaphore(%arg7 : memref<!tpu.dma_semaphore, #tpu.memory_space<semaphore_mem>>)
    }
    %scan3A_7 = arith.constant 40 : i32
    %scan3A_8 = arith.constant 0 : i32
    %scan3A_9 = arith.constant 0 : i32
    %scan3A_10 = arith.constant 40 : i32
    %scan3A_11 = arith.addi %scan3A_9, %scan3A_10 : i32
    %scan3A_12 = arith.constant 1 : i32
    scf.for %scan3A_16 = %scan3A_9 to %scan3A_11 step %scan3A_12  : i32 {
      %mul3A_17 = arith.constant 128 : i32
      %mul3A_18 = arith.muli %scan3A_16, %mul3A_17 : i32
      %dma_wait3A = arith.constant 0 : i32
      %dma_wait3A_19 = tpu.memref_slice %arg6[%mul3A_18, %dma_wait3A] : memref<5120x16xbf16, #tpu.memory_space<vmem>> -> memref<128x16xbf16, #tpu.memory_space<vmem>>
      %dma_wait3A_20 = arith.constant 0 : i32
      %dma_wait3A_21 = tpu.memref_slice %arg5[%scan3A_16, %dma_wait3A_20] : memref<40x128xi32, #tpu.memory_space<vmem>> -> memref<1x128xi32, #tpu.memory_space<vmem>>
      %dma_wait3A_22 = tpu.memref_squeeze %dma_wait3A_21 : memref<1x128xi32, #tpu.memory_space<vmem>> -> memref<128xi32, #tpu.memory_space<vmem>>
      %dma_wait3A_23 = arith.constant 0 : i32
      %dma_wait3A_24 = arith.constant 0 : i32
      %dma_wait3A_25 = tpu.memref_slice %arg2[%dma_wait3A_23, %dma_wait3A_24] : memref<10000x16xbf16, #tpu.memory_space<hbm>> -> memref<10000x16xbf16, #tpu.memory_space<hbm>>
      tpu.wait_indirect_dma semaphore(%arg7 : memref<!tpu.dma_semaphore, #tpu.memory_space<semaphore_mem>>) src(%dma_wait3A_25 : memref<10000x16xbf16, #tpu.memory_space<hbm>>) dst(%dma_wait3A_19 : memref<128x16xbf16, #tpu.memory_space<vmem>>)
    }
    %scan3A_13 = arith.constant 40 : i32
    %mul3A_14 = arith.constant 5120 : i32
    %mul3A_15 = arith.muli %add3A, %mul3A_14 : i32
    "tpu.region"() ({
      %run_scoped3A = tpu.sem_alloc : memref<!tpu.dma_semaphore, #tpu.memory_space<semaphore_mem>>
      %dma_start3A = arith.constant 0 : i32
      %dma_start3A_16 = tpu.memref_slice %arg4[%mul3A_15, %dma_start3A] : memref<163840x16xbf16, #tpu.memory_space<hbm>> -> memref<5120x16xbf16, #tpu.memory_space<hbm>>
      %dma_start3A_17 = arith.constant 0 : i32
      %dma_start3A_18 = tpu.memref_slice %arg4[%mul3A_15, %dma_start3A_17] : memref<163840x16xbf16, #tpu.memory_space<hbm>> -> memref<5120x16xbf16, #tpu.memory_space<hbm>>
      tpu.enqueue_dma source(%arg6 : memref<5120x16xbf16, #tpu.memory_space<vmem>>) target(%dma_start3A_18 : memref<5120x16xbf16, #tpu.memory_space<hbm>>) target_semaphore(%run_scoped3A : memref<!tpu.dma_semaphore, #tpu.memory_space<semaphore_mem>>)
      %dma_wait3A = arith.constant 0 : i32
      %dma_wait3A_19 = tpu.memref_slice %arg4[%mul3A_15, %dma_wait3A] : memref<163840x16xbf16, #tpu.memory_space<hbm>> -> memref<5120x16xbf16, #tpu.memory_space<hbm>>
      %dma_wait3A_20 = arith.constant 0 : i32
      %dma_wait3A_21 = tpu.memref_slice %arg4[%mul3A_15, %dma_wait3A_20] : memref<163840x16xbf16, #tpu.memory_space<hbm>> -> memref<5120x16xbf16, #tpu.memory_space<hbm>>
      tpu.wait_dma2 semaphore(%run_scoped3A : memref<!tpu.dma_semaphore, #tpu.memory_space<semaphore_mem>>) src(%arg6 : memref<5120x16xbf16, #tpu.memory_space<vmem>>) dst(%dma_wait3A_21 : memref<5120x16xbf16, #tpu.memory_space<hbm>>)
      tpu.yield
    }) : () -> ()
    return
  }
}

#map = affine_map<(d0, d1) -> (0, 0)>
module attributes {stable_mosaic.version = 14 : i64} {
  func.func @_sc_scatter(%arg0: i32, %arg1: i32, %arg2: memref<16x163840xf32, #tpu.memory_space<hbm>>, %arg3: memref<1280x128xi32, #tpu.memory_space<hbm>>, %arg4: memref<10240x16xf32, #tpu.memory_space<hbm>>, %arg5: memref<128x16xf32, #tpu.memory_space<hbm>>, %arg6: memref<20480x16xf32, #tpu.memory_space<hbm>>, %arg7: memref<20480x16xf32, #tpu.memory_space<hbm>>, %arg8: memref<40x128xi32, #tpu.memory_space<vmem>>, %arg9: memref<16x5120xf32, #tpu.memory_space<vmem>>, %arg10: memref<128x16xf32, #tpu.memory_space<vmem>>, %arg11: memref<128x16xf32, #tpu.memory_space<vmem>>, %arg12: memref<10240x16xf32, #tpu.memory_space<vmem_shared>>, %arg13: memref<10240x16xf32, #tpu.memory_space<vmem_shared>>) attributes {dimension_semantics = [#tpu.dimension_semantics<core_parallel>, #tpu.dimension_semantics<subcore_parallel>], iteration_bounds = array<i64: 2, 16>, scalar_prefetch = 0 : i64, scratch_operands = 6 : i64, tpu.core_type = #tpu.core_type<sc_vector_subcore>, window_params = [{transform_indices = #map}, {transform_indices = #map}, {transform_indices = #map}, {transform_indices = #map}, {transform_indices = #map}, {transform_indices = #map}]} {
    %mul3A = arith.constant 16 : i32
    %mul3A_0 = arith.muli %arg0, %mul3A : i32
    %add3A = arith.addi %mul3A_0, %arg1 : i32
    %mul3A_1 = arith.constant 5120 : i32
    %mul3A_2 = arith.muli %add3A, %mul3A_1 : i32
    %mul3A_3 = arith.constant 40 : i32
    %mul3A_4 = arith.muli %add3A, %mul3A_3 : i32
    "tpu.region"() ({
      %run_scoped3A_53 = tpu.sem_alloc : memref<!tpu.dma_semaphore, #tpu.memory_space<semaphore_mem>>
      %dma_start3A = arith.constant 0 : i32
      %dma_start3A_54 = tpu.memref_slice %arg3[%mul3A_4, %dma_start3A] : memref<1280x128xi32, #tpu.memory_space<hbm>> -> memref<40x128xi32, #tpu.memory_space<hbm>>
      %dma_start3A_55 = arith.constant 0 : i32
      %dma_start3A_56 = tpu.memref_slice %arg3[%mul3A_4, %dma_start3A_55] : memref<1280x128xi32, #tpu.memory_space<hbm>> -> memref<40x128xi32, #tpu.memory_space<hbm>>
      tpu.enqueue_dma source(%dma_start3A_56 : memref<40x128xi32, #tpu.memory_space<hbm>>) target(%arg8 : memref<40x128xi32, #tpu.memory_space<vmem>>) target_semaphore(%run_scoped3A_53 : memref<!tpu.dma_semaphore, #tpu.memory_space<semaphore_mem>>)
      %dma_wait3A = arith.constant 0 : i32
      %dma_wait3A_57 = tpu.memref_slice %arg3[%mul3A_4, %dma_wait3A] : memref<1280x128xi32, #tpu.memory_space<hbm>> -> memref<40x128xi32, #tpu.memory_space<hbm>>
      %dma_wait3A_58 = arith.constant 0 : i32
      %dma_wait3A_59 = tpu.memref_slice %arg3[%mul3A_4, %dma_wait3A_58] : memref<1280x128xi32, #tpu.memory_space<hbm>> -> memref<40x128xi32, #tpu.memory_space<hbm>>
      tpu.wait_dma2 semaphore(%run_scoped3A_53 : memref<!tpu.dma_semaphore, #tpu.memory_space<semaphore_mem>>) src(%dma_wait3A_59 : memref<40x128xi32, #tpu.memory_space<hbm>>) dst(%arg8 : memref<40x128xi32, #tpu.memory_space<vmem>>)
      tpu.yield
    }) : () -> ()
    %run_scoped3A = arith.constant 0 : i32
    %run_scoped3A_5 = arith.constant 0 : i32
    "tpu.region"() ({
      %run_scoped3A_53 = tpu.sem_alloc : memref<!tpu.dma_semaphore, #tpu.memory_space<semaphore_mem>>
      %dma_start3A = arith.constant 0 : i32
      %dma_start3A_54 = tpu.memref_slice %arg9[%run_scoped3A_5, %dma_start3A] : memref<16x5120xf32, #tpu.memory_space<vmem>> -> memref<1x5120xf32, #tpu.memory_space<vmem>>
      %dma_start3A_55 = tpu.memref_squeeze %dma_start3A_54 : memref<1x5120xf32, #tpu.memory_space<vmem>> -> memref<5120xf32, #tpu.memory_space<vmem>>
      %dma_start3A_56 = arith.constant 0 : i32
      %dma_start3A_57 = tpu.memref_slice %arg2[%run_scoped3A, %dma_start3A_56] : memref<16x163840xf32, #tpu.memory_space<hbm>> -> memref<1x163840xf32, #tpu.memory_space<hbm>>
      %dma_start3A_58 = tpu.memref_squeeze %dma_start3A_57 : memref<1x163840xf32, #tpu.memory_space<hbm>> -> memref<163840xf32, #tpu.memory_space<hbm>>
      %dma_start3A_59 = tpu.memref_slice %dma_start3A_58[%mul3A_2] : memref<163840xf32, #tpu.memory_space<hbm>> -> memref<5120xf32, #tpu.memory_space<hbm>>
      %dma_start3A_60 = arith.constant 0 : i32
      %dma_start3A_61 = tpu.memref_slice %arg9[%run_scoped3A_5, %dma_start3A_60] : memref<16x5120xf32, #tpu.memory_space<vmem>> -> memref<1x5120xf32, #tpu.memory_space<vmem>>
      %dma_start3A_62 = tpu.memref_squeeze %dma_start3A_61 : memref<1x5120xf32, #tpu.memory_space<vmem>> -> memref<5120xf32, #tpu.memory_space<vmem>>
      %dma_start3A_63 = arith.constant 0 : i32
      %dma_start3A_64 = tpu.memref_slice %arg2[%run_scoped3A, %dma_start3A_63] : memref<16x163840xf32, #tpu.memory_space<hbm>> -> memref<1x163840xf32, #tpu.memory_space<hbm>>
      %dma_start3A_65 = tpu.memref_squeeze %dma_start3A_64 : memref<1x163840xf32, #tpu.memory_space<hbm>> -> memref<163840xf32, #tpu.memory_space<hbm>>
      %dma_start3A_66 = tpu.memref_slice %dma_start3A_65[%mul3A_2] : memref<163840xf32, #tpu.memory_space<hbm>> -> memref<5120xf32, #tpu.memory_space<hbm>>
      tpu.enqueue_dma source(%dma_start3A_66 : memref<5120xf32, #tpu.memory_space<hbm>>) target(%dma_start3A_62 : memref<5120xf32, #tpu.memory_space<vmem>>) target_semaphore(%run_scoped3A_53 : memref<!tpu.dma_semaphore, #tpu.memory_space<semaphore_mem>>)
      %dma_wait3A = arith.constant 0 : i32
      %dma_wait3A_67 = tpu.memref_slice %arg9[%run_scoped3A_5, %dma_wait3A] : memref<16x5120xf32, #tpu.memory_space<vmem>> -> memref<1x5120xf32, #tpu.memory_space<vmem>>
      %dma_wait3A_68 = tpu.memref_squeeze %dma_wait3A_67 : memref<1x5120xf32, #tpu.memory_space<vmem>> -> memref<5120xf32, #tpu.memory_space<vmem>>
      %dma_wait3A_69 = arith.constant 0 : i32
      %dma_wait3A_70 = tpu.memref_slice %arg2[%run_scoped3A, %dma_wait3A_69] : memref<16x163840xf32, #tpu.memory_space<hbm>> -> memref<1x163840xf32, #tpu.memory_space<hbm>>
      %dma_wait3A_71 = tpu.memref_squeeze %dma_wait3A_70 : memref<1x163840xf32, #tpu.memory_space<hbm>> -> memref<163840xf32, #tpu.memory_space<hbm>>
      %dma_wait3A_72 = tpu.memref_slice %dma_wait3A_71[%mul3A_2] : memref<163840xf32, #tpu.memory_space<hbm>> -> memref<5120xf32, #tpu.memory_space<hbm>>
      %dma_wait3A_73 = arith.constant 0 : i32
      %dma_wait3A_74 = tpu.memref_slice %arg9[%run_scoped3A_5, %dma_wait3A_73] : memref<16x5120xf32, #tpu.memory_space<vmem>> -> memref<1x5120xf32, #tpu.memory_space<vmem>>
      %dma_wait3A_75 = tpu.memref_squeeze %dma_wait3A_74 : memref<1x5120xf32, #tpu.memory_space<vmem>> -> memref<5120xf32, #tpu.memory_space<vmem>>
      %dma_wait3A_76 = arith.constant 0 : i32
      %dma_wait3A_77 = tpu.memref_slice %arg2[%run_scoped3A, %dma_wait3A_76] : memref<16x163840xf32, #tpu.memory_space<hbm>> -> memref<1x163840xf32, #tpu.memory_space<hbm>>
      %dma_wait3A_78 = tpu.memref_squeeze %dma_wait3A_77 : memref<1x163840xf32, #tpu.memory_space<hbm>> -> memref<163840xf32, #tpu.memory_space<hbm>>
      %dma_wait3A_79 = tpu.memref_slice %dma_wait3A_78[%mul3A_2] : memref<163840xf32, #tpu.memory_space<hbm>> -> memref<5120xf32, #tpu.memory_space<hbm>>
      tpu.wait_dma2 semaphore(%run_scoped3A_53 : memref<!tpu.dma_semaphore, #tpu.memory_space<semaphore_mem>>) src(%dma_wait3A_79 : memref<5120xf32, #tpu.memory_space<hbm>>) dst(%dma_wait3A_75 : memref<5120xf32, #tpu.memory_space<vmem>>)
      tpu.yield
    }) : () -> ()
    %run_scoped3A_6 = arith.constant 1 : i32
    %run_scoped3A_7 = arith.constant 1 : i32
    "tpu.region"() ({
      %run_scoped3A_53 = tpu.sem_alloc : memref<!tpu.dma_semaphore, #tpu.memory_space<semaphore_mem>>
      %dma_start3A = arith.constant 0 : i32
      %dma_start3A_54 = tpu.memref_slice %arg9[%run_scoped3A_7, %dma_start3A] : memref<16x5120xf32, #tpu.memory_space<vmem>> -> memref<1x5120xf32, #tpu.memory_space<vmem>>
      %dma_start3A_55 = tpu.memref_squeeze %dma_start3A_54 : memref<1x5120xf32, #tpu.memory_space<vmem>> -> memref<5120xf32, #tpu.memory_space<vmem>>
      %dma_start3A_56 = arith.constant 0 : i32
      %dma_start3A_57 = tpu.memref_slice %arg2[%run_scoped3A_6, %dma_start3A_56] : memref<16x163840xf32, #tpu.memory_space<hbm>> -> memref<1x163840xf32, #tpu.memory_space<hbm>>
      %dma_start3A_58 = tpu.memref_squeeze %dma_start3A_57 : memref<1x163840xf32, #tpu.memory_space<hbm>> -> memref<163840xf32, #tpu.memory_space<hbm>>
      %dma_start3A_59 = tpu.memref_slice %dma_start3A_58[%mul3A_2] : memref<163840xf32, #tpu.memory_space<hbm>> -> memref<5120xf32, #tpu.memory_space<hbm>>
      %dma_start3A_60 = arith.constant 0 : i32
      %dma_start3A_61 = tpu.memref_slice %arg9[%run_scoped3A_7, %dma_start3A_60] : memref<16x5120xf32, #tpu.memory_space<vmem>> -> memref<1x5120xf32, #tpu.memory_space<vmem>>
      %dma_start3A_62 = tpu.memref_squeeze %dma_start3A_61 : memref<1x5120xf32, #tpu.memory_space<vmem>> -> memref<5120xf32, #tpu.memory_space<vmem>>
      %dma_start3A_63 = arith.constant 0 : i32
      %dma_start3A_64 = tpu.memref_slice %arg2[%run_scoped3A_6, %dma_start3A_63] : memref<16x163840xf32, #tpu.memory_space<hbm>> -> memref<1x163840xf32, #tpu.memory_space<hbm>>
      %dma_start3A_65 = tpu.memref_squeeze %dma_start3A_64 : memref<1x163840xf32, #tpu.memory_space<hbm>> -> memref<163840xf32, #tpu.memory_space<hbm>>
      %dma_start3A_66 = tpu.memref_slice %dma_start3A_65[%mul3A_2] : memref<163840xf32, #tpu.memory_space<hbm>> -> memref<5120xf32, #tpu.memory_space<hbm>>
      tpu.enqueue_dma source(%dma_start3A_66 : memref<5120xf32, #tpu.memory_space<hbm>>) target(%dma_start3A_62 : memref<5120xf32, #tpu.memory_space<vmem>>) target_semaphore(%run_scoped3A_53 : memref<!tpu.dma_semaphore, #tpu.memory_space<semaphore_mem>>)
      %dma_wait3A = arith.constant 0 : i32
      %dma_wait3A_67 = tpu.memref_slice %arg9[%run_scoped3A_7, %dma_wait3A] : memref<16x5120xf32, #tpu.memory_space<vmem>> -> memref<1x5120xf32, #tpu.memory_space<vmem>>
      %dma_wait3A_68 = tpu.memref_squeeze %dma_wait3A_67 : memref<1x5120xf32, #tpu.memory_space<vmem>> -> memref<5120xf32, #tpu.memory_space<vmem>>
      %dma_wait3A_69 = arith.constant 0 : i32
      %dma_wait3A_70 = tpu.memref_slice %arg2[%run_scoped3A_6, %dma_wait3A_69] : memref<16x163840xf32, #tpu.memory_space<hbm>> -> memref<1x163840xf32, #tpu.memory_space<hbm>>
      %dma_wait3A_71 = tpu.memref_squeeze %dma_wait3A_70 : memref<1x163840xf32, #tpu.memory_space<hbm>> -> memref<163840xf32, #tpu.memory_space<hbm>>
      %dma_wait3A_72 = tpu.memref_slice %dma_wait3A_71[%mul3A_2] : memref<163840xf32, #tpu.memory_space<hbm>> -> memref<5120xf32, #tpu.memory_space<hbm>>
      %dma_wait3A_73 = arith.constant 0 : i32
      %dma_wait3A_74 = tpu.memref_slice %arg9[%run_scoped3A_7, %dma_wait3A_73] : memref<16x5120xf32, #tpu.memory_space<vmem>> -> memref<1x5120xf32, #tpu.memory_space<vmem>>
      %dma_wait3A_75 = tpu.memref_squeeze %dma_wait3A_74 : memref<1x5120xf32, #tpu.memory_space<vmem>> -> memref<5120xf32, #tpu.memory_space<vmem>>
      %dma_wait3A_76 = arith.constant 0 : i32
      %dma_wait3A_77 = tpu.memref_slice %arg2[%run_scoped3A_6, %dma_wait3A_76] : memref<16x163840xf32, #tpu.memory_space<hbm>> -> memref<1x163840xf32, #tpu.memory_space<hbm>>
      %dma_wait3A_78 = tpu.memref_squeeze %dma_wait3A_77 : memref<1x163840xf32, #tpu.memory_space<hbm>> -> memref<163840xf32, #tpu.memory_space<hbm>>
      %dma_wait3A_79 = tpu.memref_slice %dma_wait3A_78[%mul3A_2] : memref<163840xf32, #tpu.memory_space<hbm>> -> memref<5120xf32, #tpu.memory_space<hbm>>
      tpu.wait_dma2 semaphore(%run_scoped3A_53 : memref<!tpu.dma_semaphore, #tpu.memory_space<semaphore_mem>>) src(%dma_wait3A_79 : memref<5120xf32, #tpu.memory_space<hbm>>) dst(%dma_wait3A_75 : memref<5120xf32, #tpu.memory_space<vmem>>)
      tpu.yield
    }) : () -> ()
    %run_scoped3A_8 = arith.constant 2 : i32
    %run_scoped3A_9 = arith.constant 2 : i32
    "tpu.region"() ({
      %run_scoped3A_53 = tpu.sem_alloc : memref<!tpu.dma_semaphore, #tpu.memory_space<semaphore_mem>>
      %dma_start3A = arith.constant 0 : i32
      %dma_start3A_54 = tpu.memref_slice %arg9[%run_scoped3A_9, %dma_start3A] : memref<16x5120xf32, #tpu.memory_space<vmem>> -> memref<1x5120xf32, #tpu.memory_space<vmem>>
      %dma_start3A_55 = tpu.memref_squeeze %dma_start3A_54 : memref<1x5120xf32, #tpu.memory_space<vmem>> -> memref<5120xf32, #tpu.memory_space<vmem>>
      %dma_start3A_56 = arith.constant 0 : i32
      %dma_start3A_57 = tpu.memref_slice %arg2[%run_scoped3A_8, %dma_start3A_56] : memref<16x163840xf32, #tpu.memory_space<hbm>> -> memref<1x163840xf32, #tpu.memory_space<hbm>>
      %dma_start3A_58 = tpu.memref_squeeze %dma_start3A_57 : memref<1x163840xf32, #tpu.memory_space<hbm>> -> memref<163840xf32, #tpu.memory_space<hbm>>
      %dma_start3A_59 = tpu.memref_slice %dma_start3A_58[%mul3A_2] : memref<163840xf32, #tpu.memory_space<hbm>> -> memref<5120xf32, #tpu.memory_space<hbm>>
      %dma_start3A_60 = arith.constant 0 : i32
      %dma_start3A_61 = tpu.memref_slice %arg9[%run_scoped3A_9, %dma_start3A_60] : memref<16x5120xf32, #tpu.memory_space<vmem>> -> memref<1x5120xf32, #tpu.memory_space<vmem>>
      %dma_start3A_62 = tpu.memref_squeeze %dma_start3A_61 : memref<1x5120xf32, #tpu.memory_space<vmem>> -> memref<5120xf32, #tpu.memory_space<vmem>>
      %dma_start3A_63 = arith.constant 0 : i32
      %dma_start3A_64 = tpu.memref_slice %arg2[%run_scoped3A_8, %dma_start3A_63] : memref<16x163840xf32, #tpu.memory_space<hbm>> -> memref<1x163840xf32, #tpu.memory_space<hbm>>
      %dma_start3A_65 = tpu.memref_squeeze %dma_start3A_64 : memref<1x163840xf32, #tpu.memory_space<hbm>> -> memref<163840xf32, #tpu.memory_space<hbm>>
      %dma_start3A_66 = tpu.memref_slice %dma_start3A_65[%mul3A_2] : memref<163840xf32, #tpu.memory_space<hbm>> -> memref<5120xf32, #tpu.memory_space<hbm>>
      tpu.enqueue_dma source(%dma_start3A_66 : memref<5120xf32, #tpu.memory_space<hbm>>) target(%dma_start3A_62 : memref<5120xf32, #tpu.memory_space<vmem>>) target_semaphore(%run_scoped3A_53 : memref<!tpu.dma_semaphore, #tpu.memory_space<semaphore_mem>>)
      %dma_wait3A = arith.constant 0 : i32
      %dma_wait3A_67 = tpu.memref_slice %arg9[%run_scoped3A_9, %dma_wait3A] : memref<16x5120xf32, #tpu.memory_space<vmem>> -> memref<1x5120xf32, #tpu.memory_space<vmem>>
      %dma_wait3A_68 = tpu.memref_squeeze %dma_wait3A_67 : memref<1x5120xf32, #tpu.memory_space<vmem>> -> memref<5120xf32, #tpu.memory_space<vmem>>
      %dma_wait3A_69 = arith.constant 0 : i32
      %dma_wait3A_70 = tpu.memref_slice %arg2[%run_scoped3A_8, %dma_wait3A_69] : memref<16x163840xf32, #tpu.memory_space<hbm>> -> memref<1x163840xf32, #tpu.memory_space<hbm>>
      %dma_wait3A_71 = tpu.memref_squeeze %dma_wait3A_70 : memref<1x163840xf32, #tpu.memory_space<hbm>> -> memref<163840xf32, #tpu.memory_space<hbm>>
      %dma_wait3A_72 = tpu.memref_slice %dma_wait3A_71[%mul3A_2] : memref<163840xf32, #tpu.memory_space<hbm>> -> memref<5120xf32, #tpu.memory_space<hbm>>
      %dma_wait3A_73 = arith.constant 0 : i32
      %dma_wait3A_74 = tpu.memref_slice %arg9[%run_scoped3A_9, %dma_wait3A_73] : memref<16x5120xf32, #tpu.memory_space<vmem>> -> memref<1x5120xf32, #tpu.memory_space<vmem>>
      %dma_wait3A_75 = tpu.memref_squeeze %dma_wait3A_74 : memref<1x5120xf32, #tpu.memory_space<vmem>> -> memref<5120xf32, #tpu.memory_space<vmem>>
      %dma_wait3A_76 = arith.constant 0 : i32
      %dma_wait3A_77 = tpu.memref_slice %arg2[%run_scoped3A_8, %dma_wait3A_76] : memref<16x163840xf32, #tpu.memory_space<hbm>> -> memref<1x163840xf32, #tpu.memory_space<hbm>>
      %dma_wait3A_78 = tpu.memref_squeeze %dma_wait3A_77 : memref<1x163840xf32, #tpu.memory_space<hbm>> -> memref<163840xf32, #tpu.memory_space<hbm>>
      %dma_wait3A_79 = tpu.memref_slice %dma_wait3A_78[%mul3A_2] : memref<163840xf32, #tpu.memory_space<hbm>> -> memref<5120xf32, #tpu.memory_space<hbm>>
      tpu.wait_dma2 semaphore(%run_scoped3A_53 : memref<!tpu.dma_semaphore, #tpu.memory_space<semaphore_mem>>) src(%dma_wait3A_79 : memref<5120xf32, #tpu.memory_space<hbm>>) dst(%dma_wait3A_75 : memref<5120xf32, #tpu.memory_space<vmem>>)
      tpu.yield
    }) : () -> ()
    %run_scoped3A_10 = arith.constant 3 : i32
    %run_scoped3A_11 = arith.constant 3 : i32
    "tpu.region"() ({
      %run_scoped3A_53 = tpu.sem_alloc : memref<!tpu.dma_semaphore, #tpu.memory_space<semaphore_mem>>
      %dma_start3A = arith.constant 0 : i32
      %dma_start3A_54 = tpu.memref_slice %arg9[%run_scoped3A_11, %dma_start3A] : memref<16x5120xf32, #tpu.memory_space<vmem>> -> memref<1x5120xf32, #tpu.memory_space<vmem>>
      %dma_start3A_55 = tpu.memref_squeeze %dma_start3A_54 : memref<1x5120xf32, #tpu.memory_space<vmem>> -> memref<5120xf32, #tpu.memory_space<vmem>>
      %dma_start3A_56 = arith.constant 0 : i32
      %dma_start3A_57 = tpu.memref_slice %arg2[%run_scoped3A_10, %dma_start3A_56] : memref<16x163840xf32, #tpu.memory_space<hbm>> -> memref<1x163840xf32, #tpu.memory_space<hbm>>
      %dma_start3A_58 = tpu.memref_squeeze %dma_start3A_57 : memref<1x163840xf32, #tpu.memory_space<hbm>> -> memref<163840xf32, #tpu.memory_space<hbm>>
      %dma_start3A_59 = tpu.memref_slice %dma_start3A_58[%mul3A_2] : memref<163840xf32, #tpu.memory_space<hbm>> -> memref<5120xf32, #tpu.memory_space<hbm>>
      %dma_start3A_60 = arith.constant 0 : i32
      %dma_start3A_61 = tpu.memref_slice %arg9[%run_scoped3A_11, %dma_start3A_60] : memref<16x5120xf32, #tpu.memory_space<vmem>> -> memref<1x5120xf32, #tpu.memory_space<vmem>>
      %dma_start3A_62 = tpu.memref_squeeze %dma_start3A_61 : memref<1x5120xf32, #tpu.memory_space<vmem>> -> memref<5120xf32, #tpu.memory_space<vmem>>
      %dma_start3A_63 = arith.constant 0 : i32
      %dma_start3A_64 = tpu.memref_slice %arg2[%run_scoped3A_10, %dma_start3A_63] : memref<16x163840xf32, #tpu.memory_space<hbm>> -> memref<1x163840xf32, #tpu.memory_space<hbm>>
      %dma_start3A_65 = tpu.memref_squeeze %dma_start3A_64 : memref<1x163840xf32, #tpu.memory_space<hbm>> -> memref<163840xf32, #tpu.memory_space<hbm>>
      %dma_start3A_66 = tpu.memref_slice %dma_start3A_65[%mul3A_2] : memref<163840xf32, #tpu.memory_space<hbm>> -> memref<5120xf32, #tpu.memory_space<hbm>>
      tpu.enqueue_dma source(%dma_start3A_66 : memref<5120xf32, #tpu.memory_space<hbm>>) target(%dma_start3A_62 : memref<5120xf32, #tpu.memory_space<vmem>>) target_semaphore(%run_scoped3A_53 : memref<!tpu.dma_semaphore, #tpu.memory_space<semaphore_mem>>)
      %dma_wait3A = arith.constant 0 : i32
      %dma_wait3A_67 = tpu.memref_slice %arg9[%run_scoped3A_11, %dma_wait3A] : memref<16x5120xf32, #tpu.memory_space<vmem>> -> memref<1x5120xf32, #tpu.memory_space<vmem>>
      %dma_wait3A_68 = tpu.memref_squeeze %dma_wait3A_67 : memref<1x5120xf32, #tpu.memory_space<vmem>> -> memref<5120xf32, #tpu.memory_space<vmem>>
      %dma_wait3A_69 = arith.constant 0 : i32
      %dma_wait3A_70 = tpu.memref_slice %arg2[%run_scoped3A_10, %dma_wait3A_69] : memref<16x163840xf32, #tpu.memory_space<hbm>> -> memref<1x163840xf32, #tpu.memory_space<hbm>>
      %dma_wait3A_71 = tpu.memref_squeeze %dma_wait3A_70 : memref<1x163840xf32, #tpu.memory_space<hbm>> -> memref<163840xf32, #tpu.memory_space<hbm>>
      %dma_wait3A_72 = tpu.memref_slice %dma_wait3A_71[%mul3A_2] : memref<163840xf32, #tpu.memory_space<hbm>> -> memref<5120xf32, #tpu.memory_space<hbm>>
      %dma_wait3A_73 = arith.constant 0 : i32
      %dma_wait3A_74 = tpu.memref_slice %arg9[%run_scoped3A_11, %dma_wait3A_73] : memref<16x5120xf32, #tpu.memory_space<vmem>> -> memref<1x5120xf32, #tpu.memory_space<vmem>>
      %dma_wait3A_75 = tpu.memref_squeeze %dma_wait3A_74 : memref<1x5120xf32, #tpu.memory_space<vmem>> -> memref<5120xf32, #tpu.memory_space<vmem>>
      %dma_wait3A_76 = arith.constant 0 : i32
      %dma_wait3A_77 = tpu.memref_slice %arg2[%run_scoped3A_10, %dma_wait3A_76] : memref<16x163840xf32, #tpu.memory_space<hbm>> -> memref<1x163840xf32, #tpu.memory_space<hbm>>
      %dma_wait3A_78 = tpu.memref_squeeze %dma_wait3A_77 : memref<1x163840xf32, #tpu.memory_space<hbm>> -> memref<163840xf32, #tpu.memory_space<hbm>>
      %dma_wait3A_79 = tpu.memref_slice %dma_wait3A_78[%mul3A_2] : memref<163840xf32, #tpu.memory_space<hbm>> -> memref<5120xf32, #tpu.memory_space<hbm>>
      tpu.wait_dma2 semaphore(%run_scoped3A_53 : memref<!tpu.dma_semaphore, #tpu.memory_space<semaphore_mem>>) src(%dma_wait3A_79 : memref<5120xf32, #tpu.memory_space<hbm>>) dst(%dma_wait3A_75 : memref<5120xf32, #tpu.memory_space<vmem>>)
      tpu.yield
    }) : () -> ()
    %run_scoped3A_12 = arith.constant 4 : i32
    %run_scoped3A_13 = arith.constant 4 : i32
    "tpu.region"() ({
      %run_scoped3A_53 = tpu.sem_alloc : memref<!tpu.dma_semaphore, #tpu.memory_space<semaphore_mem>>
      %dma_start3A = arith.constant 0 : i32
      %dma_start3A_54 = tpu.memref_slice %arg9[%run_scoped3A_13, %dma_start3A] : memref<16x5120xf32, #tpu.memory_space<vmem>> -> memref<1x5120xf32, #tpu.memory_space<vmem>>
      %dma_start3A_55 = tpu.memref_squeeze %dma_start3A_54 : memref<1x5120xf32, #tpu.memory_space<vmem>> -> memref<5120xf32, #tpu.memory_space<vmem>>
      %dma_start3A_56 = arith.constant 0 : i32
      %dma_start3A_57 = tpu.memref_slice %arg2[%run_scoped3A_12, %dma_start3A_56] : memref<16x163840xf32, #tpu.memory_space<hbm>> -> memref<1x163840xf32, #tpu.memory_space<hbm>>
      %dma_start3A_58 = tpu.memref_squeeze %dma_start3A_57 : memref<1x163840xf32, #tpu.memory_space<hbm>> -> memref<163840xf32, #tpu.memory_space<hbm>>
      %dma_start3A_59 = tpu.memref_slice %dma_start3A_58[%mul3A_2] : memref<163840xf32, #tpu.memory_space<hbm>> -> memref<5120xf32, #tpu.memory_space<hbm>>
      %dma_start3A_60 = arith.constant 0 : i32
      %dma_start3A_61 = tpu.memref_slice %arg9[%run_scoped3A_13, %dma_start3A_60] : memref<16x5120xf32, #tpu.memory_space<vmem>> -> memref<1x5120xf32, #tpu.memory_space<vmem>>
      %dma_start3A_62 = tpu.memref_squeeze %dma_start3A_61 : memref<1x5120xf32, #tpu.memory_space<vmem>> -> memref<5120xf32, #tpu.memory_space<vmem>>
      %dma_start3A_63 = arith.constant 0 : i32
      %dma_start3A_64 = tpu.memref_slice %arg2[%run_scoped3A_12, %dma_start3A_63] : memref<16x163840xf32, #tpu.memory_space<hbm>> -> memref<1x163840xf32, #tpu.memory_space<hbm>>
      %dma_start3A_65 = tpu.memref_squeeze %dma_start3A_64 : memref<1x163840xf32, #tpu.memory_space<hbm>> -> memref<163840xf32, #tpu.memory_space<hbm>>
      %dma_start3A_66 = tpu.memref_slice %dma_start3A_65[%mul3A_2] : memref<163840xf32, #tpu.memory_space<hbm>> -> memref<5120xf32, #tpu.memory_space<hbm>>
      tpu.enqueue_dma source(%dma_start3A_66 : memref<5120xf32, #tpu.memory_space<hbm>>) target(%dma_start3A_62 : memref<5120xf32, #tpu.memory_space<vmem>>) target_semaphore(%run_scoped3A_53 : memref<!tpu.dma_semaphore, #tpu.memory_space<semaphore_mem>>)
      %dma_wait3A = arith.constant 0 : i32
      %dma_wait3A_67 = tpu.memref_slice %arg9[%run_scoped3A_13, %dma_wait3A] : memref<16x5120xf32, #tpu.memory_space<vmem>> -> memref<1x5120xf32, #tpu.memory_space<vmem>>
      %dma_wait3A_68 = tpu.memref_squeeze %dma_wait3A_67 : memref<1x5120xf32, #tpu.memory_space<vmem>> -> memref<5120xf32, #tpu.memory_space<vmem>>
      %dma_wait3A_69 = arith.constant 0 : i32
      %dma_wait3A_70 = tpu.memref_slice %arg2[%run_scoped3A_12, %dma_wait3A_69] : memref<16x163840xf32, #tpu.memory_space<hbm>> -> memref<1x163840xf32, #tpu.memory_space<hbm>>
      %dma_wait3A_71 = tpu.memref_squeeze %dma_wait3A_70 : memref<1x163840xf32, #tpu.memory_space<hbm>> -> memref<163840xf32, #tpu.memory_space<hbm>>
      %dma_wait3A_72 = tpu.memref_slice %dma_wait3A_71[%mul3A_2] : memref<163840xf32, #tpu.memory_space<hbm>> -> memref<5120xf32, #tpu.memory_space<hbm>>
      %dma_wait3A_73 = arith.constant 0 : i32
      %dma_wait3A_74 = tpu.memref_slice %arg9[%run_scoped3A_13, %dma_wait3A_73] : memref<16x5120xf32, #tpu.memory_space<vmem>> -> memref<1x5120xf32, #tpu.memory_space<vmem>>
      %dma_wait3A_75 = tpu.memref_squeeze %dma_wait3A_74 : memref<1x5120xf32, #tpu.memory_space<vmem>> -> memref<5120xf32, #tpu.memory_space<vmem>>
      %dma_wait3A_76 = arith.constant 0 : i32
      %dma_wait3A_77 = tpu.memref_slice %arg2[%run_scoped3A_12, %dma_wait3A_76] : memref<16x163840xf32, #tpu.memory_space<hbm>> -> memref<1x163840xf32, #tpu.memory_space<hbm>>
      %dma_wait3A_78 = tpu.memref_squeeze %dma_wait3A_77 : memref<1x163840xf32, #tpu.memory_space<hbm>> -> memref<163840xf32, #tpu.memory_space<hbm>>
      %dma_wait3A_79 = tpu.memref_slice %dma_wait3A_78[%mul3A_2] : memref<163840xf32, #tpu.memory_space<hbm>> -> memref<5120xf32, #tpu.memory_space<hbm>>
      tpu.wait_dma2 semaphore(%run_scoped3A_53 : memref<!tpu.dma_semaphore, #tpu.memory_space<semaphore_mem>>) src(%dma_wait3A_79 : memref<5120xf32, #tpu.memory_space<hbm>>) dst(%dma_wait3A_75 : memref<5120xf32, #tpu.memory_space<vmem>>)
      tpu.yield
    }) : () -> ()
    %run_scoped3A_14 = arith.constant 5 : i32
    %run_scoped3A_15 = arith.constant 5 : i32
    "tpu.region"() ({
      %run_scoped3A_53 = tpu.sem_alloc : memref<!tpu.dma_semaphore, #tpu.memory_space<semaphore_mem>>
      %dma_start3A = arith.constant 0 : i32
      %dma_start3A_54 = tpu.memref_slice %arg9[%run_scoped3A_15, %dma_start3A] : memref<16x5120xf32, #tpu.memory_space<vmem>> -> memref<1x5120xf32, #tpu.memory_space<vmem>>
      %dma_start3A_55 = tpu.memref_squeeze %dma_start3A_54 : memref<1x5120xf32, #tpu.memory_space<vmem>> -> memref<5120xf32, #tpu.memory_space<vmem>>
      %dma_start3A_56 = arith.constant 0 : i32
      %dma_start3A_57 = tpu.memref_slice %arg2[%run_scoped3A_14, %dma_start3A_56] : memref<16x163840xf32, #tpu.memory_space<hbm>> -> memref<1x163840xf32, #tpu.memory_space<hbm>>
      %dma_start3A_58 = tpu.memref_squeeze %dma_start3A_57 : memref<1x163840xf32, #tpu.memory_space<hbm>> -> memref<163840xf32, #tpu.memory_space<hbm>>
      %dma_start3A_59 = tpu.memref_slice %dma_start3A_58[%mul3A_2] : memref<163840xf32, #tpu.memory_space<hbm>> -> memref<5120xf32, #tpu.memory_space<hbm>>
      %dma_start3A_60 = arith.constant 0 : i32
      %dma_start3A_61 = tpu.memref_slice %arg9[%run_scoped3A_15, %dma_start3A_60] : memref<16x5120xf32, #tpu.memory_space<vmem>> -> memref<1x5120xf32, #tpu.memory_space<vmem>>
      %dma_start3A_62 = tpu.memref_squeeze %dma_start3A_61 : memref<1x5120xf32, #tpu.memory_space<vmem>> -> memref<5120xf32, #tpu.memory_space<vmem>>
      %dma_start3A_63 = arith.constant 0 : i32
      %dma_start3A_64 = tpu.memref_slice %arg2[%run_scoped3A_14, %dma_start3A_63] : memref<16x163840xf32, #tpu.memory_space<hbm>> -> memref<1x163840xf32, #tpu.memory_space<hbm>>
      %dma_start3A_65 = tpu.memref_squeeze %dma_start3A_64 : memref<1x163840xf32, #tpu.memory_space<hbm>> -> memref<163840xf32, #tpu.memory_space<hbm>>
      %dma_start3A_66 = tpu.memref_slice %dma_start3A_65[%mul3A_2] : memref<163840xf32, #tpu.memory_space<hbm>> -> memref<5120xf32, #tpu.memory_space<hbm>>
      tpu.enqueue_dma source(%dma_start3A_66 : memref<5120xf32, #tpu.memory_space<hbm>>) target(%dma_start3A_62 : memref<5120xf32, #tpu.memory_space<vmem>>) target_semaphore(%run_scoped3A_53 : memref<!tpu.dma_semaphore, #tpu.memory_space<semaphore_mem>>)
      %dma_wait3A = arith.constant 0 : i32
      %dma_wait3A_67 = tpu.memref_slice %arg9[%run_scoped3A_15, %dma_wait3A] : memref<16x5120xf32, #tpu.memory_space<vmem>> -> memref<1x5120xf32, #tpu.memory_space<vmem>>
      %dma_wait3A_68 = tpu.memref_squeeze %dma_wait3A_67 : memref<1x5120xf32, #tpu.memory_space<vmem>> -> memref<5120xf32, #tpu.memory_space<vmem>>
      %dma_wait3A_69 = arith.constant 0 : i32
      %dma_wait3A_70 = tpu.memref_slice %arg2[%run_scoped3A_14, %dma_wait3A_69] : memref<16x163840xf32, #tpu.memory_space<hbm>> -> memref<1x163840xf32, #tpu.memory_space<hbm>>
      %dma_wait3A_71 = tpu.memref_squeeze %dma_wait3A_70 : memref<1x163840xf32, #tpu.memory_space<hbm>> -> memref<163840xf32, #tpu.memory_space<hbm>>
      %dma_wait3A_72 = tpu.memref_slice %dma_wait3A_71[%mul3A_2] : memref<163840xf32, #tpu.memory_space<hbm>> -> memref<5120xf32, #tpu.memory_space<hbm>>
      %dma_wait3A_73 = arith.constant 0 : i32
      %dma_wait3A_74 = tpu.memref_slice %arg9[%run_scoped3A_15, %dma_wait3A_73] : memref<16x5120xf32, #tpu.memory_space<vmem>> -> memref<1x5120xf32, #tpu.memory_space<vmem>>
      %dma_wait3A_75 = tpu.memref_squeeze %dma_wait3A_74 : memref<1x5120xf32, #tpu.memory_space<vmem>> -> memref<5120xf32, #tpu.memory_space<vmem>>
      %dma_wait3A_76 = arith.constant 0 : i32
      %dma_wait3A_77 = tpu.memref_slice %arg2[%run_scoped3A_14, %dma_wait3A_76] : memref<16x163840xf32, #tpu.memory_space<hbm>> -> memref<1x163840xf32, #tpu.memory_space<hbm>>
      %dma_wait3A_78 = tpu.memref_squeeze %dma_wait3A_77 : memref<1x163840xf32, #tpu.memory_space<hbm>> -> memref<163840xf32, #tpu.memory_space<hbm>>
      %dma_wait3A_79 = tpu.memref_slice %dma_wait3A_78[%mul3A_2] : memref<163840xf32, #tpu.memory_space<hbm>> -> memref<5120xf32, #tpu.memory_space<hbm>>
      tpu.wait_dma2 semaphore(%run_scoped3A_53 : memref<!tpu.dma_semaphore, #tpu.memory_space<semaphore_mem>>) src(%dma_wait3A_79 : memref<5120xf32, #tpu.memory_space<hbm>>) dst(%dma_wait3A_75 : memref<5120xf32, #tpu.memory_space<vmem>>)
      tpu.yield
    }) : () -> ()
    %run_scoped3A_16 = arith.constant 6 : i32
    %run_scoped3A_17 = arith.constant 6 : i32
    "tpu.region"() ({
      %run_scoped3A_53 = tpu.sem_alloc : memref<!tpu.dma_semaphore, #tpu.memory_space<semaphore_mem>>
      %dma_start3A = arith.constant 0 : i32
      %dma_start3A_54 = tpu.memref_slice %arg9[%run_scoped3A_17, %dma_start3A] : memref<16x5120xf32, #tpu.memory_space<vmem>> -> memref<1x5120xf32, #tpu.memory_space<vmem>>
      %dma_start3A_55 = tpu.memref_squeeze %dma_start3A_54 : memref<1x5120xf32, #tpu.memory_space<vmem>> -> memref<5120xf32, #tpu.memory_space<vmem>>
      %dma_start3A_56 = arith.constant 0 : i32
      %dma_start3A_57 = tpu.memref_slice %arg2[%run_scoped3A_16, %dma_start3A_56] : memref<16x163840xf32, #tpu.memory_space<hbm>> -> memref<1x163840xf32, #tpu.memory_space<hbm>>
      %dma_start3A_58 = tpu.memref_squeeze %dma_start3A_57 : memref<1x163840xf32, #tpu.memory_space<hbm>> -> memref<163840xf32, #tpu.memory_space<hbm>>
      %dma_start3A_59 = tpu.memref_slice %dma_start3A_58[%mul3A_2] : memref<163840xf32, #tpu.memory_space<hbm>> -> memref<5120xf32, #tpu.memory_space<hbm>>
      %dma_start3A_60 = arith.constant 0 : i32
      %dma_start3A_61 = tpu.memref_slice %arg9[%run_scoped3A_17, %dma_start3A_60] : memref<16x5120xf32, #tpu.memory_space<vmem>> -> memref<1x5120xf32, #tpu.memory_space<vmem>>
      %dma_start3A_62 = tpu.memref_squeeze %dma_start3A_61 : memref<1x5120xf32, #tpu.memory_space<vmem>> -> memref<5120xf32, #tpu.memory_space<vmem>>
      %dma_start3A_63 = arith.constant 0 : i32
      %dma_start3A_64 = tpu.memref_slice %arg2[%run_scoped3A_16, %dma_start3A_63] : memref<16x163840xf32, #tpu.memory_space<hbm>> -> memref<1x163840xf32, #tpu.memory_space<hbm>>
      %dma_start3A_65 = tpu.memref_squeeze %dma_start3A_64 : memref<1x163840xf32, #tpu.memory_space<hbm>> -> memref<163840xf32, #tpu.memory_space<hbm>>
      %dma_start3A_66 = tpu.memref_slice %dma_start3A_65[%mul3A_2] : memref<163840xf32, #tpu.memory_space<hbm>> -> memref<5120xf32, #tpu.memory_space<hbm>>
      tpu.enqueue_dma source(%dma_start3A_66 : memref<5120xf32, #tpu.memory_space<hbm>>) target(%dma_start3A_62 : memref<5120xf32, #tpu.memory_space<vmem>>) target_semaphore(%run_scoped3A_53 : memref<!tpu.dma_semaphore, #tpu.memory_space<semaphore_mem>>)
      %dma_wait3A = arith.constant 0 : i32
      %dma_wait3A_67 = tpu.memref_slice %arg9[%run_scoped3A_17, %dma_wait3A] : memref<16x5120xf32, #tpu.memory_space<vmem>> -> memref<1x5120xf32, #tpu.memory_space<vmem>>
      %dma_wait3A_68 = tpu.memref_squeeze %dma_wait3A_67 : memref<1x5120xf32, #tpu.memory_space<vmem>> -> memref<5120xf32, #tpu.memory_space<vmem>>
      %dma_wait3A_69 = arith.constant 0 : i32
      %dma_wait3A_70 = tpu.memref_slice %arg2[%run_scoped3A_16, %dma_wait3A_69] : memref<16x163840xf32, #tpu.memory_space<hbm>> -> memref<1x163840xf32, #tpu.memory_space<hbm>>
      %dma_wait3A_71 = tpu.memref_squeeze %dma_wait3A_70 : memref<1x163840xf32, #tpu.memory_space<hbm>> -> memref<163840xf32, #tpu.memory_space<hbm>>
      %dma_wait3A_72 = tpu.memref_slice %dma_wait3A_71[%mul3A_2] : memref<163840xf32, #tpu.memory_space<hbm>> -> memref<5120xf32, #tpu.memory_space<hbm>>
      %dma_wait3A_73 = arith.constant 0 : i32
      %dma_wait3A_74 = tpu.memref_slice %arg9[%run_scoped3A_17, %dma_wait3A_73] : memref<16x5120xf32, #tpu.memory_space<vmem>> -> memref<1x5120xf32, #tpu.memory_space<vmem>>
      %dma_wait3A_75 = tpu.memref_squeeze %dma_wait3A_74 : memref<1x5120xf32, #tpu.memory_space<vmem>> -> memref<5120xf32, #tpu.memory_space<vmem>>
      %dma_wait3A_76 = arith.constant 0 : i32
      %dma_wait3A_77 = tpu.memref_slice %arg2[%run_scoped3A_16, %dma_wait3A_76] : memref<16x163840xf32, #tpu.memory_space<hbm>> -> memref<1x163840xf32, #tpu.memory_space<hbm>>
      %dma_wait3A_78 = tpu.memref_squeeze %dma_wait3A_77 : memref<1x163840xf32, #tpu.memory_space<hbm>> -> memref<163840xf32, #tpu.memory_space<hbm>>
      %dma_wait3A_79 = tpu.memref_slice %dma_wait3A_78[%mul3A_2] : memref<163840xf32, #tpu.memory_space<hbm>> -> memref<5120xf32, #tpu.memory_space<hbm>>
      tpu.wait_dma2 semaphore(%run_scoped3A_53 : memref<!tpu.dma_semaphore, #tpu.memory_space<semaphore_mem>>) src(%dma_wait3A_79 : memref<5120xf32, #tpu.memory_space<hbm>>) dst(%dma_wait3A_75 : memref<5120xf32, #tpu.memory_space<vmem>>)
      tpu.yield
    }) : () -> ()
    %run_scoped3A_18 = arith.constant 7 : i32
    %run_scoped3A_19 = arith.constant 7 : i32
    "tpu.region"() ({
      %run_scoped3A_53 = tpu.sem_alloc : memref<!tpu.dma_semaphore, #tpu.memory_space<semaphore_mem>>
      %dma_start3A = arith.constant 0 : i32
      %dma_start3A_54 = tpu.memref_slice %arg9[%run_scoped3A_19, %dma_start3A] : memref<16x5120xf32, #tpu.memory_space<vmem>> -> memref<1x5120xf32, #tpu.memory_space<vmem>>
      %dma_start3A_55 = tpu.memref_squeeze %dma_start3A_54 : memref<1x5120xf32, #tpu.memory_space<vmem>> -> memref<5120xf32, #tpu.memory_space<vmem>>
      %dma_start3A_56 = arith.constant 0 : i32
      %dma_start3A_57 = tpu.memref_slice %arg2[%run_scoped3A_18, %dma_start3A_56] : memref<16x163840xf32, #tpu.memory_space<hbm>> -> memref<1x163840xf32, #tpu.memory_space<hbm>>
      %dma_start3A_58 = tpu.memref_squeeze %dma_start3A_57 : memref<1x163840xf32, #tpu.memory_space<hbm>> -> memref<163840xf32, #tpu.memory_space<hbm>>
      %dma_start3A_59 = tpu.memref_slice %dma_start3A_58[%mul3A_2] : memref<163840xf32, #tpu.memory_space<hbm>> -> memref<5120xf32, #tpu.memory_space<hbm>>
      %dma_start3A_60 = arith.constant 0 : i32
      %dma_start3A_61 = tpu.memref_slice %arg9[%run_scoped3A_19, %dma_start3A_60] : memref<16x5120xf32, #tpu.memory_space<vmem>> -> memref<1x5120xf32, #tpu.memory_space<vmem>>
      %dma_start3A_62 = tpu.memref_squeeze %dma_start3A_61 : memref<1x5120xf32, #tpu.memory_space<vmem>> -> memref<5120xf32, #tpu.memory_space<vmem>>
      %dma_start3A_63 = arith.constant 0 : i32
      %dma_start3A_64 = tpu.memref_slice %arg2[%run_scoped3A_18, %dma_start3A_63] : memref<16x163840xf32, #tpu.memory_space<hbm>> -> memref<1x163840xf32, #tpu.memory_space<hbm>>
      %dma_start3A_65 = tpu.memref_squeeze %dma_start3A_64 : memref<1x163840xf32, #tpu.memory_space<hbm>> -> memref<163840xf32, #tpu.memory_space<hbm>>
      %dma_start3A_66 = tpu.memref_slice %dma_start3A_65[%mul3A_2] : memref<163840xf32, #tpu.memory_space<hbm>> -> memref<5120xf32, #tpu.memory_space<hbm>>
      tpu.enqueue_dma source(%dma_start3A_66 : memref<5120xf32, #tpu.memory_space<hbm>>) target(%dma_start3A_62 : memref<5120xf32, #tpu.memory_space<vmem>>) target_semaphore(%run_scoped3A_53 : memref<!tpu.dma_semaphore, #tpu.memory_space<semaphore_mem>>)
      %dma_wait3A = arith.constant 0 : i32
      %dma_wait3A_67 = tpu.memref_slice %arg9[%run_scoped3A_19, %dma_wait3A] : memref<16x5120xf32, #tpu.memory_space<vmem>> -> memref<1x5120xf32, #tpu.memory_space<vmem>>
      %dma_wait3A_68 = tpu.memref_squeeze %dma_wait3A_67 : memref<1x5120xf32, #tpu.memory_space<vmem>> -> memref<5120xf32, #tpu.memory_space<vmem>>
      %dma_wait3A_69 = arith.constant 0 : i32
      %dma_wait3A_70 = tpu.memref_slice %arg2[%run_scoped3A_18, %dma_wait3A_69] : memref<16x163840xf32, #tpu.memory_space<hbm>> -> memref<1x163840xf32, #tpu.memory_space<hbm>>
      %dma_wait3A_71 = tpu.memref_squeeze %dma_wait3A_70 : memref<1x163840xf32, #tpu.memory_space<hbm>> -> memref<163840xf32, #tpu.memory_space<hbm>>
      %dma_wait3A_72 = tpu.memref_slice %dma_wait3A_71[%mul3A_2] : memref<163840xf32, #tpu.memory_space<hbm>> -> memref<5120xf32, #tpu.memory_space<hbm>>
      %dma_wait3A_73 = arith.constant 0 : i32
      %dma_wait3A_74 = tpu.memref_slice %arg9[%run_scoped3A_19, %dma_wait3A_73] : memref<16x5120xf32, #tpu.memory_space<vmem>> -> memref<1x5120xf32, #tpu.memory_space<vmem>>
      %dma_wait3A_75 = tpu.memref_squeeze %dma_wait3A_74 : memref<1x5120xf32, #tpu.memory_space<vmem>> -> memref<5120xf32, #tpu.memory_space<vmem>>
      %dma_wait3A_76 = arith.constant 0 : i32
      %dma_wait3A_77 = tpu.memref_slice %arg2[%run_scoped3A_18, %dma_wait3A_76] : memref<16x163840xf32, #tpu.memory_space<hbm>> -> memref<1x163840xf32, #tpu.memory_space<hbm>>
      %dma_wait3A_78 = tpu.memref_squeeze %dma_wait3A_77 : memref<1x163840xf32, #tpu.memory_space<hbm>> -> memref<163840xf32, #tpu.memory_space<hbm>>
      %dma_wait3A_79 = tpu.memref_slice %dma_wait3A_78[%mul3A_2] : memref<163840xf32, #tpu.memory_space<hbm>> -> memref<5120xf32, #tpu.memory_space<hbm>>
      tpu.wait_dma2 semaphore(%run_scoped3A_53 : memref<!tpu.dma_semaphore, #tpu.memory_space<semaphore_mem>>) src(%dma_wait3A_79 : memref<5120xf32, #tpu.memory_space<hbm>>) dst(%dma_wait3A_75 : memref<5120xf32, #tpu.memory_space<vmem>>)
      tpu.yield
    }) : () -> ()
    %run_scoped3A_20 = arith.constant 8 : i32
    %run_scoped3A_21 = arith.constant 8 : i32
    "tpu.region"() ({
      %run_scoped3A_53 = tpu.sem_alloc : memref<!tpu.dma_semaphore, #tpu.memory_space<semaphore_mem>>
      %dma_start3A = arith.constant 0 : i32
      %dma_start3A_54 = tpu.memref_slice %arg9[%run_scoped3A_21, %dma_start3A] : memref<16x5120xf32, #tpu.memory_space<vmem>> -> memref<1x5120xf32, #tpu.memory_space<vmem>>
      %dma_start3A_55 = tpu.memref_squeeze %dma_start3A_54 : memref<1x5120xf32, #tpu.memory_space<vmem>> -> memref<5120xf32, #tpu.memory_space<vmem>>
      %dma_start3A_56 = arith.constant 0 : i32
      %dma_start3A_57 = tpu.memref_slice %arg2[%run_scoped3A_20, %dma_start3A_56] : memref<16x163840xf32, #tpu.memory_space<hbm>> -> memref<1x163840xf32, #tpu.memory_space<hbm>>
      %dma_start3A_58 = tpu.memref_squeeze %dma_start3A_57 : memref<1x163840xf32, #tpu.memory_space<hbm>> -> memref<163840xf32, #tpu.memory_space<hbm>>
      %dma_start3A_59 = tpu.memref_slice %dma_start3A_58[%mul3A_2] : memref<163840xf32, #tpu.memory_space<hbm>> -> memref<5120xf32, #tpu.memory_space<hbm>>
      %dma_start3A_60 = arith.constant 0 : i32
      %dma_start3A_61 = tpu.memref_slice %arg9[%run_scoped3A_21, %dma_start3A_60] : memref<16x5120xf32, #tpu.memory_space<vmem>> -> memref<1x5120xf32, #tpu.memory_space<vmem>>
      %dma_start3A_62 = tpu.memref_squeeze %dma_start3A_61 : memref<1x5120xf32, #tpu.memory_space<vmem>> -> memref<5120xf32, #tpu.memory_space<vmem>>
      %dma_start3A_63 = arith.constant 0 : i32
      %dma_start3A_64 = tpu.memref_slice %arg2[%run_scoped3A_20, %dma_start3A_63] : memref<16x163840xf32, #tpu.memory_space<hbm>> -> memref<1x163840xf32, #tpu.memory_space<hbm>>
      %dma_start3A_65 = tpu.memref_squeeze %dma_start3A_64 : memref<1x163840xf32, #tpu.memory_space<hbm>> -> memref<163840xf32, #tpu.memory_space<hbm>>
      %dma_start3A_66 = tpu.memref_slice %dma_start3A_65[%mul3A_2] : memref<163840xf32, #tpu.memory_space<hbm>> -> memref<5120xf32, #tpu.memory_space<hbm>>
      tpu.enqueue_dma source(%dma_start3A_66 : memref<5120xf32, #tpu.memory_space<hbm>>) target(%dma_start3A_62 : memref<5120xf32, #tpu.memory_space<vmem>>) target_semaphore(%run_scoped3A_53 : memref<!tpu.dma_semaphore, #tpu.memory_space<semaphore_mem>>)
      %dma_wait3A = arith.constant 0 : i32
      %dma_wait3A_67 = tpu.memref_slice %arg9[%run_scoped3A_21, %dma_wait3A] : memref<16x5120xf32, #tpu.memory_space<vmem>> -> memref<1x5120xf32, #tpu.memory_space<vmem>>
      %dma_wait3A_68 = tpu.memref_squeeze %dma_wait3A_67 : memref<1x5120xf32, #tpu.memory_space<vmem>> -> memref<5120xf32, #tpu.memory_space<vmem>>
      %dma_wait3A_69 = arith.constant 0 : i32
      %dma_wait3A_70 = tpu.memref_slice %arg2[%run_scoped3A_20, %dma_wait3A_69] : memref<16x163840xf32, #tpu.memory_space<hbm>> -> memref<1x163840xf32, #tpu.memory_space<hbm>>
      %dma_wait3A_71 = tpu.memref_squeeze %dma_wait3A_70 : memref<1x163840xf32, #tpu.memory_space<hbm>> -> memref<163840xf32, #tpu.memory_space<hbm>>
      %dma_wait3A_72 = tpu.memref_slice %dma_wait3A_71[%mul3A_2] : memref<163840xf32, #tpu.memory_space<hbm>> -> memref<5120xf32, #tpu.memory_space<hbm>>
      %dma_wait3A_73 = arith.constant 0 : i32
      %dma_wait3A_74 = tpu.memref_slice %arg9[%run_scoped3A_21, %dma_wait3A_73] : memref<16x5120xf32, #tpu.memory_space<vmem>> -> memref<1x5120xf32, #tpu.memory_space<vmem>>
      %dma_wait3A_75 = tpu.memref_squeeze %dma_wait3A_74 : memref<1x5120xf32, #tpu.memory_space<vmem>> -> memref<5120xf32, #tpu.memory_space<vmem>>
      %dma_wait3A_76 = arith.constant 0 : i32
      %dma_wait3A_77 = tpu.memref_slice %arg2[%run_scoped3A_20, %dma_wait3A_76] : memref<16x163840xf32, #tpu.memory_space<hbm>> -> memref<1x163840xf32, #tpu.memory_space<hbm>>
      %dma_wait3A_78 = tpu.memref_squeeze %dma_wait3A_77 : memref<1x163840xf32, #tpu.memory_space<hbm>> -> memref<163840xf32, #tpu.memory_space<hbm>>
      %dma_wait3A_79 = tpu.memref_slice %dma_wait3A_78[%mul3A_2] : memref<163840xf32, #tpu.memory_space<hbm>> -> memref<5120xf32, #tpu.memory_space<hbm>>
      tpu.wait_dma2 semaphore(%run_scoped3A_53 : memref<!tpu.dma_semaphore, #tpu.memory_space<semaphore_mem>>) src(%dma_wait3A_79 : memref<5120xf32, #tpu.memory_space<hbm>>) dst(%dma_wait3A_75 : memref<5120xf32, #tpu.memory_space<vmem>>)
      tpu.yield
    }) : () -> ()
    %run_scoped3A_22 = arith.constant 9 : i32
    %run_scoped3A_23 = arith.constant 9 : i32
    "tpu.region"() ({
      %run_scoped3A_53 = tpu.sem_alloc : memref<!tpu.dma_semaphore, #tpu.memory_space<semaphore_mem>>
      %dma_start3A = arith.constant 0 : i32
      %dma_start3A_54 = tpu.memref_slice %arg9[%run_scoped3A_23, %dma_start3A] : memref<16x5120xf32, #tpu.memory_space<vmem>> -> memref<1x5120xf32, #tpu.memory_space<vmem>>
      %dma_start3A_55 = tpu.memref_squeeze %dma_start3A_54 : memref<1x5120xf32, #tpu.memory_space<vmem>> -> memref<5120xf32, #tpu.memory_space<vmem>>
      %dma_start3A_56 = arith.constant 0 : i32
      %dma_start3A_57 = tpu.memref_slice %arg2[%run_scoped3A_22, %dma_start3A_56] : memref<16x163840xf32, #tpu.memory_space<hbm>> -> memref<1x163840xf32, #tpu.memory_space<hbm>>
      %dma_start3A_58 = tpu.memref_squeeze %dma_start3A_57 : memref<1x163840xf32, #tpu.memory_space<hbm>> -> memref<163840xf32, #tpu.memory_space<hbm>>
      %dma_start3A_59 = tpu.memref_slice %dma_start3A_58[%mul3A_2] : memref<163840xf32, #tpu.memory_space<hbm>> -> memref<5120xf32, #tpu.memory_space<hbm>>
      %dma_start3A_60 = arith.constant 0 : i32
      %dma_start3A_61 = tpu.memref_slice %arg9[%run_scoped3A_23, %dma_start3A_60] : memref<16x5120xf32, #tpu.memory_space<vmem>> -> memref<1x5120xf32, #tpu.memory_space<vmem>>
      %dma_start3A_62 = tpu.memref_squeeze %dma_start3A_61 : memref<1x5120xf32, #tpu.memory_space<vmem>> -> memref<5120xf32, #tpu.memory_space<vmem>>
      %dma_start3A_63 = arith.constant 0 : i32
      %dma_start3A_64 = tpu.memref_slice %arg2[%run_scoped3A_22, %dma_start3A_63] : memref<16x163840xf32, #tpu.memory_space<hbm>> -> memref<1x163840xf32, #tpu.memory_space<hbm>>
      %dma_start3A_65 = tpu.memref_squeeze %dma_start3A_64 : memref<1x163840xf32, #tpu.memory_space<hbm>> -> memref<163840xf32, #tpu.memory_space<hbm>>
      %dma_start3A_66 = tpu.memref_slice %dma_start3A_65[%mul3A_2] : memref<163840xf32, #tpu.memory_space<hbm>> -> memref<5120xf32, #tpu.memory_space<hbm>>
      tpu.enqueue_dma source(%dma_start3A_66 : memref<5120xf32, #tpu.memory_space<hbm>>) target(%dma_start3A_62 : memref<5120xf32, #tpu.memory_space<vmem>>) target_semaphore(%run_scoped3A_53 : memref<!tpu.dma_semaphore, #tpu.memory_space<semaphore_mem>>)
      %dma_wait3A = arith.constant 0 : i32
      %dma_wait3A_67 = tpu.memref_slice %arg9[%run_scoped3A_23, %dma_wait3A] : memref<16x5120xf32, #tpu.memory_space<vmem>> -> memref<1x5120xf32, #tpu.memory_space<vmem>>
      %dma_wait3A_68 = tpu.memref_squeeze %dma_wait3A_67 : memref<1x5120xf32, #tpu.memory_space<vmem>> -> memref<5120xf32, #tpu.memory_space<vmem>>
      %dma_wait3A_69 = arith.constant 0 : i32
      %dma_wait3A_70 = tpu.memref_slice %arg2[%run_scoped3A_22, %dma_wait3A_69] : memref<16x163840xf32, #tpu.memory_space<hbm>> -> memref<1x163840xf32, #tpu.memory_space<hbm>>
      %dma_wait3A_71 = tpu.memref_squeeze %dma_wait3A_70 : memref<1x163840xf32, #tpu.memory_space<hbm>> -> memref<163840xf32, #tpu.memory_space<hbm>>
      %dma_wait3A_72 = tpu.memref_slice %dma_wait3A_71[%mul3A_2] : memref<163840xf32, #tpu.memory_space<hbm>> -> memref<5120xf32, #tpu.memory_space<hbm>>
      %dma_wait3A_73 = arith.constant 0 : i32
      %dma_wait3A_74 = tpu.memref_slice %arg9[%run_scoped3A_23, %dma_wait3A_73] : memref<16x5120xf32, #tpu.memory_space<vmem>> -> memref<1x5120xf32, #tpu.memory_space<vmem>>
      %dma_wait3A_75 = tpu.memref_squeeze %dma_wait3A_74 : memref<1x5120xf32, #tpu.memory_space<vmem>> -> memref<5120xf32, #tpu.memory_space<vmem>>
      %dma_wait3A_76 = arith.constant 0 : i32
      %dma_wait3A_77 = tpu.memref_slice %arg2[%run_scoped3A_22, %dma_wait3A_76] : memref<16x163840xf32, #tpu.memory_space<hbm>> -> memref<1x163840xf32, #tpu.memory_space<hbm>>
      %dma_wait3A_78 = tpu.memref_squeeze %dma_wait3A_77 : memref<1x163840xf32, #tpu.memory_space<hbm>> -> memref<163840xf32, #tpu.memory_space<hbm>>
      %dma_wait3A_79 = tpu.memref_slice %dma_wait3A_78[%mul3A_2] : memref<163840xf32, #tpu.memory_space<hbm>> -> memref<5120xf32, #tpu.memory_space<hbm>>
      tpu.wait_dma2 semaphore(%run_scoped3A_53 : memref<!tpu.dma_semaphore, #tpu.memory_space<semaphore_mem>>) src(%dma_wait3A_79 : memref<5120xf32, #tpu.memory_space<hbm>>) dst(%dma_wait3A_75 : memref<5120xf32, #tpu.memory_space<vmem>>)
      tpu.yield
    }) : () -> ()
    %run_scoped3A_24 = arith.constant 10 : i32
    %run_scoped3A_25 = arith.constant 10 : i32
    "tpu.region"() ({
      %run_scoped3A_53 = tpu.sem_alloc : memref<!tpu.dma_semaphore, #tpu.memory_space<semaphore_mem>>
      %dma_start3A = arith.constant 0 : i32
      %dma_start3A_54 = tpu.memref_slice %arg9[%run_scoped3A_25, %dma_start3A] : memref<16x5120xf32, #tpu.memory_space<vmem>> -> memref<1x5120xf32, #tpu.memory_space<vmem>>
      %dma_start3A_55 = tpu.memref_squeeze %dma_start3A_54 : memref<1x5120xf32, #tpu.memory_space<vmem>> -> memref<5120xf32, #tpu.memory_space<vmem>>
      %dma_start3A_56 = arith.constant 0 : i32
      %dma_start3A_57 = tpu.memref_slice %arg2[%run_scoped3A_24, %dma_start3A_56] : memref<16x163840xf32, #tpu.memory_space<hbm>> -> memref<1x163840xf32, #tpu.memory_space<hbm>>
      %dma_start3A_58 = tpu.memref_squeeze %dma_start3A_57 : memref<1x163840xf32, #tpu.memory_space<hbm>> -> memref<163840xf32, #tpu.memory_space<hbm>>
      %dma_start3A_59 = tpu.memref_slice %dma_start3A_58[%mul3A_2] : memref<163840xf32, #tpu.memory_space<hbm>> -> memref<5120xf32, #tpu.memory_space<hbm>>
      %dma_start3A_60 = arith.constant 0 : i32
      %dma_start3A_61 = tpu.memref_slice %arg9[%run_scoped3A_25, %dma_start3A_60] : memref<16x5120xf32, #tpu.memory_space<vmem>> -> memref<1x5120xf32, #tpu.memory_space<vmem>>
      %dma_start3A_62 = tpu.memref_squeeze %dma_start3A_61 : memref<1x5120xf32, #tpu.memory_space<vmem>> -> memref<5120xf32, #tpu.memory_space<vmem>>
      %dma_start3A_63 = arith.constant 0 : i32
      %dma_start3A_64 = tpu.memref_slice %arg2[%run_scoped3A_24, %dma_start3A_63] : memref<16x163840xf32, #tpu.memory_space<hbm>> -> memref<1x163840xf32, #tpu.memory_space<hbm>>
      %dma_start3A_65 = tpu.memref_squeeze %dma_start3A_64 : memref<1x163840xf32, #tpu.memory_space<hbm>> -> memref<163840xf32, #tpu.memory_space<hbm>>
      %dma_start3A_66 = tpu.memref_slice %dma_start3A_65[%mul3A_2] : memref<163840xf32, #tpu.memory_space<hbm>> -> memref<5120xf32, #tpu.memory_space<hbm>>
      tpu.enqueue_dma source(%dma_start3A_66 : memref<5120xf32, #tpu.memory_space<hbm>>) target(%dma_start3A_62 : memref<5120xf32, #tpu.memory_space<vmem>>) target_semaphore(%run_scoped3A_53 : memref<!tpu.dma_semaphore, #tpu.memory_space<semaphore_mem>>)
      %dma_wait3A = arith.constant 0 : i32
      %dma_wait3A_67 = tpu.memref_slice %arg9[%run_scoped3A_25, %dma_wait3A] : memref<16x5120xf32, #tpu.memory_space<vmem>> -> memref<1x5120xf32, #tpu.memory_space<vmem>>
      %dma_wait3A_68 = tpu.memref_squeeze %dma_wait3A_67 : memref<1x5120xf32, #tpu.memory_space<vmem>> -> memref<5120xf32, #tpu.memory_space<vmem>>
      %dma_wait3A_69 = arith.constant 0 : i32
      %dma_wait3A_70 = tpu.memref_slice %arg2[%run_scoped3A_24, %dma_wait3A_69] : memref<16x163840xf32, #tpu.memory_space<hbm>> -> memref<1x163840xf32, #tpu.memory_space<hbm>>
      %dma_wait3A_71 = tpu.memref_squeeze %dma_wait3A_70 : memref<1x163840xf32, #tpu.memory_space<hbm>> -> memref<163840xf32, #tpu.memory_space<hbm>>
      %dma_wait3A_72 = tpu.memref_slice %dma_wait3A_71[%mul3A_2] : memref<163840xf32, #tpu.memory_space<hbm>> -> memref<5120xf32, #tpu.memory_space<hbm>>
      %dma_wait3A_73 = arith.constant 0 : i32
      %dma_wait3A_74 = tpu.memref_slice %arg9[%run_scoped3A_25, %dma_wait3A_73] : memref<16x5120xf32, #tpu.memory_space<vmem>> -> memref<1x5120xf32, #tpu.memory_space<vmem>>
      %dma_wait3A_75 = tpu.memref_squeeze %dma_wait3A_74 : memref<1x5120xf32, #tpu.memory_space<vmem>> -> memref<5120xf32, #tpu.memory_space<vmem>>
      %dma_wait3A_76 = arith.constant 0 : i32
      %dma_wait3A_77 = tpu.memref_slice %arg2[%run_scoped3A_24, %dma_wait3A_76] : memref<16x163840xf32, #tpu.memory_space<hbm>> -> memref<1x163840xf32, #tpu.memory_space<hbm>>
      %dma_wait3A_78 = tpu.memref_squeeze %dma_wait3A_77 : memref<1x163840xf32, #tpu.memory_space<hbm>> -> memref<163840xf32, #tpu.memory_space<hbm>>
      %dma_wait3A_79 = tpu.memref_slice %dma_wait3A_78[%mul3A_2] : memref<163840xf32, #tpu.memory_space<hbm>> -> memref<5120xf32, #tpu.memory_space<hbm>>
      tpu.wait_dma2 semaphore(%run_scoped3A_53 : memref<!tpu.dma_semaphore, #tpu.memory_space<semaphore_mem>>) src(%dma_wait3A_79 : memref<5120xf32, #tpu.memory_space<hbm>>) dst(%dma_wait3A_75 : memref<5120xf32, #tpu.memory_space<vmem>>)
      tpu.yield
    }) : () -> ()
    %run_scoped3A_26 = arith.constant 11 : i32
    %run_scoped3A_27 = arith.constant 11 : i32
    "tpu.region"() ({
      %run_scoped3A_53 = tpu.sem_alloc : memref<!tpu.dma_semaphore, #tpu.memory_space<semaphore_mem>>
      %dma_start3A = arith.constant 0 : i32
      %dma_start3A_54 = tpu.memref_slice %arg9[%run_scoped3A_27, %dma_start3A] : memref<16x5120xf32, #tpu.memory_space<vmem>> -> memref<1x5120xf32, #tpu.memory_space<vmem>>
      %dma_start3A_55 = tpu.memref_squeeze %dma_start3A_54 : memref<1x5120xf32, #tpu.memory_space<vmem>> -> memref<5120xf32, #tpu.memory_space<vmem>>
      %dma_start3A_56 = arith.constant 0 : i32
      %dma_start3A_57 = tpu.memref_slice %arg2[%run_scoped3A_26, %dma_start3A_56] : memref<16x163840xf32, #tpu.memory_space<hbm>> -> memref<1x163840xf32, #tpu.memory_space<hbm>>
      %dma_start3A_58 = tpu.memref_squeeze %dma_start3A_57 : memref<1x163840xf32, #tpu.memory_space<hbm>> -> memref<163840xf32, #tpu.memory_space<hbm>>
      %dma_start3A_59 = tpu.memref_slice %dma_start3A_58[%mul3A_2] : memref<163840xf32, #tpu.memory_space<hbm>> -> memref<5120xf32, #tpu.memory_space<hbm>>
      %dma_start3A_60 = arith.constant 0 : i32
      %dma_start3A_61 = tpu.memref_slice %arg9[%run_scoped3A_27, %dma_start3A_60] : memref<16x5120xf32, #tpu.memory_space<vmem>> -> memref<1x5120xf32, #tpu.memory_space<vmem>>
      %dma_start3A_62 = tpu.memref_squeeze %dma_start3A_61 : memref<1x5120xf32, #tpu.memory_space<vmem>> -> memref<5120xf32, #tpu.memory_space<vmem>>
      %dma_start3A_63 = arith.constant 0 : i32
      %dma_start3A_64 = tpu.memref_slice %arg2[%run_scoped3A_26, %dma_start3A_63] : memref<16x163840xf32, #tpu.memory_space<hbm>> -> memref<1x163840xf32, #tpu.memory_space<hbm>>
      %dma_start3A_65 = tpu.memref_squeeze %dma_start3A_64 : memref<1x163840xf32, #tpu.memory_space<hbm>> -> memref<163840xf32, #tpu.memory_space<hbm>>
      %dma_start3A_66 = tpu.memref_slice %dma_start3A_65[%mul3A_2] : memref<163840xf32, #tpu.memory_space<hbm>> -> memref<5120xf32, #tpu.memory_space<hbm>>
      tpu.enqueue_dma source(%dma_start3A_66 : memref<5120xf32, #tpu.memory_space<hbm>>) target(%dma_start3A_62 : memref<5120xf32, #tpu.memory_space<vmem>>) target_semaphore(%run_scoped3A_53 : memref<!tpu.dma_semaphore, #tpu.memory_space<semaphore_mem>>)
      %dma_wait3A = arith.constant 0 : i32
      %dma_wait3A_67 = tpu.memref_slice %arg9[%run_scoped3A_27, %dma_wait3A] : memref<16x5120xf32, #tpu.memory_space<vmem>> -> memref<1x5120xf32, #tpu.memory_space<vmem>>
      %dma_wait3A_68 = tpu.memref_squeeze %dma_wait3A_67 : memref<1x5120xf32, #tpu.memory_space<vmem>> -> memref<5120xf32, #tpu.memory_space<vmem>>
      %dma_wait3A_69 = arith.constant 0 : i32
      %dma_wait3A_70 = tpu.memref_slice %arg2[%run_scoped3A_26, %dma_wait3A_69] : memref<16x163840xf32, #tpu.memory_space<hbm>> -> memref<1x163840xf32, #tpu.memory_space<hbm>>
      %dma_wait3A_71 = tpu.memref_squeeze %dma_wait3A_70 : memref<1x163840xf32, #tpu.memory_space<hbm>> -> memref<163840xf32, #tpu.memory_space<hbm>>
      %dma_wait3A_72 = tpu.memref_slice %dma_wait3A_71[%mul3A_2] : memref<163840xf32, #tpu.memory_space<hbm>> -> memref<5120xf32, #tpu.memory_space<hbm>>
      %dma_wait3A_73 = arith.constant 0 : i32
      %dma_wait3A_74 = tpu.memref_slice %arg9[%run_scoped3A_27, %dma_wait3A_73] : memref<16x5120xf32, #tpu.memory_space<vmem>> -> memref<1x5120xf32, #tpu.memory_space<vmem>>
      %dma_wait3A_75 = tpu.memref_squeeze %dma_wait3A_74 : memref<1x5120xf32, #tpu.memory_space<vmem>> -> memref<5120xf32, #tpu.memory_space<vmem>>
      %dma_wait3A_76 = arith.constant 0 : i32
      %dma_wait3A_77 = tpu.memref_slice %arg2[%run_scoped3A_26, %dma_wait3A_76] : memref<16x163840xf32, #tpu.memory_space<hbm>> -> memref<1x163840xf32, #tpu.memory_space<hbm>>
      %dma_wait3A_78 = tpu.memref_squeeze %dma_wait3A_77 : memref<1x163840xf32, #tpu.memory_space<hbm>> -> memref<163840xf32, #tpu.memory_space<hbm>>
      %dma_wait3A_79 = tpu.memref_slice %dma_wait3A_78[%mul3A_2] : memref<163840xf32, #tpu.memory_space<hbm>> -> memref<5120xf32, #tpu.memory_space<hbm>>
      tpu.wait_dma2 semaphore(%run_scoped3A_53 : memref<!tpu.dma_semaphore, #tpu.memory_space<semaphore_mem>>) src(%dma_wait3A_79 : memref<5120xf32, #tpu.memory_space<hbm>>) dst(%dma_wait3A_75 : memref<5120xf32, #tpu.memory_space<vmem>>)
      tpu.yield
    }) : () -> ()
    %run_scoped3A_28 = arith.constant 12 : i32
    %run_scoped3A_29 = arith.constant 12 : i32
    "tpu.region"() ({
      %run_scoped3A_53 = tpu.sem_alloc : memref<!tpu.dma_semaphore, #tpu.memory_space<semaphore_mem>>
      %dma_start3A = arith.constant 0 : i32
      %dma_start3A_54 = tpu.memref_slice %arg9[%run_scoped3A_29, %dma_start3A] : memref<16x5120xf32, #tpu.memory_space<vmem>> -> memref<1x5120xf32, #tpu.memory_space<vmem>>
      %dma_start3A_55 = tpu.memref_squeeze %dma_start3A_54 : memref<1x5120xf32, #tpu.memory_space<vmem>> -> memref<5120xf32, #tpu.memory_space<vmem>>
      %dma_start3A_56 = arith.constant 0 : i32
      %dma_start3A_57 = tpu.memref_slice %arg2[%run_scoped3A_28, %dma_start3A_56] : memref<16x163840xf32, #tpu.memory_space<hbm>> -> memref<1x163840xf32, #tpu.memory_space<hbm>>
      %dma_start3A_58 = tpu.memref_squeeze %dma_start3A_57 : memref<1x163840xf32, #tpu.memory_space<hbm>> -> memref<163840xf32, #tpu.memory_space<hbm>>
      %dma_start3A_59 = tpu.memref_slice %dma_start3A_58[%mul3A_2] : memref<163840xf32, #tpu.memory_space<hbm>> -> memref<5120xf32, #tpu.memory_space<hbm>>
      %dma_start3A_60 = arith.constant 0 : i32
      %dma_start3A_61 = tpu.memref_slice %arg9[%run_scoped3A_29, %dma_start3A_60] : memref<16x5120xf32, #tpu.memory_space<vmem>> -> memref<1x5120xf32, #tpu.memory_space<vmem>>
      %dma_start3A_62 = tpu.memref_squeeze %dma_start3A_61 : memref<1x5120xf32, #tpu.memory_space<vmem>> -> memref<5120xf32, #tpu.memory_space<vmem>>
      %dma_start3A_63 = arith.constant 0 : i32
      %dma_start3A_64 = tpu.memref_slice %arg2[%run_scoped3A_28, %dma_start3A_63] : memref<16x163840xf32, #tpu.memory_space<hbm>> -> memref<1x163840xf32, #tpu.memory_space<hbm>>
      %dma_start3A_65 = tpu.memref_squeeze %dma_start3A_64 : memref<1x163840xf32, #tpu.memory_space<hbm>> -> memref<163840xf32, #tpu.memory_space<hbm>>
      %dma_start3A_66 = tpu.memref_slice %dma_start3A_65[%mul3A_2] : memref<163840xf32, #tpu.memory_space<hbm>> -> memref<5120xf32, #tpu.memory_space<hbm>>
      tpu.enqueue_dma source(%dma_start3A_66 : memref<5120xf32, #tpu.memory_space<hbm>>) target(%dma_start3A_62 : memref<5120xf32, #tpu.memory_space<vmem>>) target_semaphore(%run_scoped3A_53 : memref<!tpu.dma_semaphore, #tpu.memory_space<semaphore_mem>>)
      %dma_wait3A = arith.constant 0 : i32
      %dma_wait3A_67 = tpu.memref_slice %arg9[%run_scoped3A_29, %dma_wait3A] : memref<16x5120xf32, #tpu.memory_space<vmem>> -> memref<1x5120xf32, #tpu.memory_space<vmem>>
      %dma_wait3A_68 = tpu.memref_squeeze %dma_wait3A_67 : memref<1x5120xf32, #tpu.memory_space<vmem>> -> memref<5120xf32, #tpu.memory_space<vmem>>
      %dma_wait3A_69 = arith.constant 0 : i32
      %dma_wait3A_70 = tpu.memref_slice %arg2[%run_scoped3A_28, %dma_wait3A_69] : memref<16x163840xf32, #tpu.memory_space<hbm>> -> memref<1x163840xf32, #tpu.memory_space<hbm>>
      %dma_wait3A_71 = tpu.memref_squeeze %dma_wait3A_70 : memref<1x163840xf32, #tpu.memory_space<hbm>> -> memref<163840xf32, #tpu.memory_space<hbm>>
      %dma_wait3A_72 = tpu.memref_slice %dma_wait3A_71[%mul3A_2] : memref<163840xf32, #tpu.memory_space<hbm>> -> memref<5120xf32, #tpu.memory_space<hbm>>
      %dma_wait3A_73 = arith.constant 0 : i32
      %dma_wait3A_74 = tpu.memref_slice %arg9[%run_scoped3A_29, %dma_wait3A_73] : memref<16x5120xf32, #tpu.memory_space<vmem>> -> memref<1x5120xf32, #tpu.memory_space<vmem>>
      %dma_wait3A_75 = tpu.memref_squeeze %dma_wait3A_74 : memref<1x5120xf32, #tpu.memory_space<vmem>> -> memref<5120xf32, #tpu.memory_space<vmem>>
      %dma_wait3A_76 = arith.constant 0 : i32
      %dma_wait3A_77 = tpu.memref_slice %arg2[%run_scoped3A_28, %dma_wait3A_76] : memref<16x163840xf32, #tpu.memory_space<hbm>> -> memref<1x163840xf32, #tpu.memory_space<hbm>>
      %dma_wait3A_78 = tpu.memref_squeeze %dma_wait3A_77 : memref<1x163840xf32, #tpu.memory_space<hbm>> -> memref<163840xf32, #tpu.memory_space<hbm>>
      %dma_wait3A_79 = tpu.memref_slice %dma_wait3A_78[%mul3A_2] : memref<163840xf32, #tpu.memory_space<hbm>> -> memref<5120xf32, #tpu.memory_space<hbm>>
      tpu.wait_dma2 semaphore(%run_scoped3A_53 : memref<!tpu.dma_semaphore, #tpu.memory_space<semaphore_mem>>) src(%dma_wait3A_79 : memref<5120xf32, #tpu.memory_space<hbm>>) dst(%dma_wait3A_75 : memref<5120xf32, #tpu.memory_space<vmem>>)
      tpu.yield
    }) : () -> ()
    %run_scoped3A_30 = arith.constant 13 : i32
    %run_scoped3A_31 = arith.constant 13 : i32
    "tpu.region"() ({
      %run_scoped3A_53 = tpu.sem_alloc : memref<!tpu.dma_semaphore, #tpu.memory_space<semaphore_mem>>
      %dma_start3A = arith.constant 0 : i32
      %dma_start3A_54 = tpu.memref_slice %arg9[%run_scoped3A_31, %dma_start3A] : memref<16x5120xf32, #tpu.memory_space<vmem>> -> memref<1x5120xf32, #tpu.memory_space<vmem>>
      %dma_start3A_55 = tpu.memref_squeeze %dma_start3A_54 : memref<1x5120xf32, #tpu.memory_space<vmem>> -> memref<5120xf32, #tpu.memory_space<vmem>>
      %dma_start3A_56 = arith.constant 0 : i32
      %dma_start3A_57 = tpu.memref_slice %arg2[%run_scoped3A_30, %dma_start3A_56] : memref<16x163840xf32, #tpu.memory_space<hbm>> -> memref<1x163840xf32, #tpu.memory_space<hbm>>
      %dma_start3A_58 = tpu.memref_squeeze %dma_start3A_57 : memref<1x163840xf32, #tpu.memory_space<hbm>> -> memref<163840xf32, #tpu.memory_space<hbm>>
      %dma_start3A_59 = tpu.memref_slice %dma_start3A_58[%mul3A_2] : memref<163840xf32, #tpu.memory_space<hbm>> -> memref<5120xf32, #tpu.memory_space<hbm>>
      %dma_start3A_60 = arith.constant 0 : i32
      %dma_start3A_61 = tpu.memref_slice %arg9[%run_scoped3A_31, %dma_start3A_60] : memref<16x5120xf32, #tpu.memory_space<vmem>> -> memref<1x5120xf32, #tpu.memory_space<vmem>>
      %dma_start3A_62 = tpu.memref_squeeze %dma_start3A_61 : memref<1x5120xf32, #tpu.memory_space<vmem>> -> memref<5120xf32, #tpu.memory_space<vmem>>
      %dma_start3A_63 = arith.constant 0 : i32
      %dma_start3A_64 = tpu.memref_slice %arg2[%run_scoped3A_30, %dma_start3A_63] : memref<16x163840xf32, #tpu.memory_space<hbm>> -> memref<1x163840xf32, #tpu.memory_space<hbm>>
      %dma_start3A_65 = tpu.memref_squeeze %dma_start3A_64 : memref<1x163840xf32, #tpu.memory_space<hbm>> -> memref<163840xf32, #tpu.memory_space<hbm>>
      %dma_start3A_66 = tpu.memref_slice %dma_start3A_65[%mul3A_2] : memref<163840xf32, #tpu.memory_space<hbm>> -> memref<5120xf32, #tpu.memory_space<hbm>>
      tpu.enqueue_dma source(%dma_start3A_66 : memref<5120xf32, #tpu.memory_space<hbm>>) target(%dma_start3A_62 : memref<5120xf32, #tpu.memory_space<vmem>>) target_semaphore(%run_scoped3A_53 : memref<!tpu.dma_semaphore, #tpu.memory_space<semaphore_mem>>)
      %dma_wait3A = arith.constant 0 : i32
      %dma_wait3A_67 = tpu.memref_slice %arg9[%run_scoped3A_31, %dma_wait3A] : memref<16x5120xf32, #tpu.memory_space<vmem>> -> memref<1x5120xf32, #tpu.memory_space<vmem>>
      %dma_wait3A_68 = tpu.memref_squeeze %dma_wait3A_67 : memref<1x5120xf32, #tpu.memory_space<vmem>> -> memref<5120xf32, #tpu.memory_space<vmem>>
      %dma_wait3A_69 = arith.constant 0 : i32
      %dma_wait3A_70 = tpu.memref_slice %arg2[%run_scoped3A_30, %dma_wait3A_69] : memref<16x163840xf32, #tpu.memory_space<hbm>> -> memref<1x163840xf32, #tpu.memory_space<hbm>>
      %dma_wait3A_71 = tpu.memref_squeeze %dma_wait3A_70 : memref<1x163840xf32, #tpu.memory_space<hbm>> -> memref<163840xf32, #tpu.memory_space<hbm>>
      %dma_wait3A_72 = tpu.memref_slice %dma_wait3A_71[%mul3A_2] : memref<163840xf32, #tpu.memory_space<hbm>> -> memref<5120xf32, #tpu.memory_space<hbm>>
      %dma_wait3A_73 = arith.constant 0 : i32
      %dma_wait3A_74 = tpu.memref_slice %arg9[%run_scoped3A_31, %dma_wait3A_73] : memref<16x5120xf32, #tpu.memory_space<vmem>> -> memref<1x5120xf32, #tpu.memory_space<vmem>>
      %dma_wait3A_75 = tpu.memref_squeeze %dma_wait3A_74 : memref<1x5120xf32, #tpu.memory_space<vmem>> -> memref<5120xf32, #tpu.memory_space<vmem>>
      %dma_wait3A_76 = arith.constant 0 : i32
      %dma_wait3A_77 = tpu.memref_slice %arg2[%run_scoped3A_30, %dma_wait3A_76] : memref<16x163840xf32, #tpu.memory_space<hbm>> -> memref<1x163840xf32, #tpu.memory_space<hbm>>
      %dma_wait3A_78 = tpu.memref_squeeze %dma_wait3A_77 : memref<1x163840xf32, #tpu.memory_space<hbm>> -> memref<163840xf32, #tpu.memory_space<hbm>>
      %dma_wait3A_79 = tpu.memref_slice %dma_wait3A_78[%mul3A_2] : memref<163840xf32, #tpu.memory_space<hbm>> -> memref<5120xf32, #tpu.memory_space<hbm>>
      tpu.wait_dma2 semaphore(%run_scoped3A_53 : memref<!tpu.dma_semaphore, #tpu.memory_space<semaphore_mem>>) src(%dma_wait3A_79 : memref<5120xf32, #tpu.memory_space<hbm>>) dst(%dma_wait3A_75 : memref<5120xf32, #tpu.memory_space<vmem>>)
      tpu.yield
    }) : () -> ()
    %run_scoped3A_32 = arith.constant 14 : i32
    %run_scoped3A_33 = arith.constant 14 : i32
    "tpu.region"() ({
      %run_scoped3A_53 = tpu.sem_alloc : memref<!tpu.dma_semaphore, #tpu.memory_space<semaphore_mem>>
      %dma_start3A = arith.constant 0 : i32
      %dma_start3A_54 = tpu.memref_slice %arg9[%run_scoped3A_33, %dma_start3A] : memref<16x5120xf32, #tpu.memory_space<vmem>> -> memref<1x5120xf32, #tpu.memory_space<vmem>>
      %dma_start3A_55 = tpu.memref_squeeze %dma_start3A_54 : memref<1x5120xf32, #tpu.memory_space<vmem>> -> memref<5120xf32, #tpu.memory_space<vmem>>
      %dma_start3A_56 = arith.constant 0 : i32
      %dma_start3A_57 = tpu.memref_slice %arg2[%run_scoped3A_32, %dma_start3A_56] : memref<16x163840xf32, #tpu.memory_space<hbm>> -> memref<1x163840xf32, #tpu.memory_space<hbm>>
      %dma_start3A_58 = tpu.memref_squeeze %dma_start3A_57 : memref<1x163840xf32, #tpu.memory_space<hbm>> -> memref<163840xf32, #tpu.memory_space<hbm>>
      %dma_start3A_59 = tpu.memref_slice %dma_start3A_58[%mul3A_2] : memref<163840xf32, #tpu.memory_space<hbm>> -> memref<5120xf32, #tpu.memory_space<hbm>>
      %dma_start3A_60 = arith.constant 0 : i32
      %dma_start3A_61 = tpu.memref_slice %arg9[%run_scoped3A_33, %dma_start3A_60] : memref<16x5120xf32, #tpu.memory_space<vmem>> -> memref<1x5120xf32, #tpu.memory_space<vmem>>
      %dma_start3A_62 = tpu.memref_squeeze %dma_start3A_61 : memref<1x5120xf32, #tpu.memory_space<vmem>> -> memref<5120xf32, #tpu.memory_space<vmem>>
      %dma_start3A_63 = arith.constant 0 : i32
      %dma_start3A_64 = tpu.memref_slice %arg2[%run_scoped3A_32, %dma_start3A_63] : memref<16x163840xf32, #tpu.memory_space<hbm>> -> memref<1x163840xf32, #tpu.memory_space<hbm>>
      %dma_start3A_65 = tpu.memref_squeeze %dma_start3A_64 : memref<1x163840xf32, #tpu.memory_space<hbm>> -> memref<163840xf32, #tpu.memory_space<hbm>>
      %dma_start3A_66 = tpu.memref_slice %dma_start3A_65[%mul3A_2] : memref<163840xf32, #tpu.memory_space<hbm>> -> memref<5120xf32, #tpu.memory_space<hbm>>
      tpu.enqueue_dma source(%dma_start3A_66 : memref<5120xf32, #tpu.memory_space<hbm>>) target(%dma_start3A_62 : memref<5120xf32, #tpu.memory_space<vmem>>) target_semaphore(%run_scoped3A_53 : memref<!tpu.dma_semaphore, #tpu.memory_space<semaphore_mem>>)
      %dma_wait3A = arith.constant 0 : i32
      %dma_wait3A_67 = tpu.memref_slice %arg9[%run_scoped3A_33, %dma_wait3A] : memref<16x5120xf32, #tpu.memory_space<vmem>> -> memref<1x5120xf32, #tpu.memory_space<vmem>>
      %dma_wait3A_68 = tpu.memref_squeeze %dma_wait3A_67 : memref<1x5120xf32, #tpu.memory_space<vmem>> -> memref<5120xf32, #tpu.memory_space<vmem>>
      %dma_wait3A_69 = arith.constant 0 : i32
      %dma_wait3A_70 = tpu.memref_slice %arg2[%run_scoped3A_32, %dma_wait3A_69] : memref<16x163840xf32, #tpu.memory_space<hbm>> -> memref<1x163840xf32, #tpu.memory_space<hbm>>
      %dma_wait3A_71 = tpu.memref_squeeze %dma_wait3A_70 : memref<1x163840xf32, #tpu.memory_space<hbm>> -> memref<163840xf32, #tpu.memory_space<hbm>>
      %dma_wait3A_72 = tpu.memref_slice %dma_wait3A_71[%mul3A_2] : memref<163840xf32, #tpu.memory_space<hbm>> -> memref<5120xf32, #tpu.memory_space<hbm>>
      %dma_wait3A_73 = arith.constant 0 : i32
      %dma_wait3A_74 = tpu.memref_slice %arg9[%run_scoped3A_33, %dma_wait3A_73] : memref<16x5120xf32, #tpu.memory_space<vmem>> -> memref<1x5120xf32, #tpu.memory_space<vmem>>
      %dma_wait3A_75 = tpu.memref_squeeze %dma_wait3A_74 : memref<1x5120xf32, #tpu.memory_space<vmem>> -> memref<5120xf32, #tpu.memory_space<vmem>>
      %dma_wait3A_76 = arith.constant 0 : i32
      %dma_wait3A_77 = tpu.memref_slice %arg2[%run_scoped3A_32, %dma_wait3A_76] : memref<16x163840xf32, #tpu.memory_space<hbm>> -> memref<1x163840xf32, #tpu.memory_space<hbm>>
      %dma_wait3A_78 = tpu.memref_squeeze %dma_wait3A_77 : memref<1x163840xf32, #tpu.memory_space<hbm>> -> memref<163840xf32, #tpu.memory_space<hbm>>
      %dma_wait3A_79 = tpu.memref_slice %dma_wait3A_78[%mul3A_2] : memref<163840xf32, #tpu.memory_space<hbm>> -> memref<5120xf32, #tpu.memory_space<hbm>>
      tpu.wait_dma2 semaphore(%run_scoped3A_53 : memref<!tpu.dma_semaphore, #tpu.memory_space<semaphore_mem>>) src(%dma_wait3A_79 : memref<5120xf32, #tpu.memory_space<hbm>>) dst(%dma_wait3A_75 : memref<5120xf32, #tpu.memory_space<vmem>>)
      tpu.yield
    }) : () -> ()
    %run_scoped3A_34 = arith.constant 15 : i32
    %run_scoped3A_35 = arith.constant 15 : i32
    "tpu.region"() ({
      %run_scoped3A_53 = tpu.sem_alloc : memref<!tpu.dma_semaphore, #tpu.memory_space<semaphore_mem>>
      %dma_start3A = arith.constant 0 : i32
      %dma_start3A_54 = tpu.memref_slice %arg9[%run_scoped3A_35, %dma_start3A] : memref<16x5120xf32, #tpu.memory_space<vmem>> -> memref<1x5120xf32, #tpu.memory_space<vmem>>
      %dma_start3A_55 = tpu.memref_squeeze %dma_start3A_54 : memref<1x5120xf32, #tpu.memory_space<vmem>> -> memref<5120xf32, #tpu.memory_space<vmem>>
      %dma_start3A_56 = arith.constant 0 : i32
      %dma_start3A_57 = tpu.memref_slice %arg2[%run_scoped3A_34, %dma_start3A_56] : memref<16x163840xf32, #tpu.memory_space<hbm>> -> memref<1x163840xf32, #tpu.memory_space<hbm>>
      %dma_start3A_58 = tpu.memref_squeeze %dma_start3A_57 : memref<1x163840xf32, #tpu.memory_space<hbm>> -> memref<163840xf32, #tpu.memory_space<hbm>>
      %dma_start3A_59 = tpu.memref_slice %dma_start3A_58[%mul3A_2] : memref<163840xf32, #tpu.memory_space<hbm>> -> memref<5120xf32, #tpu.memory_space<hbm>>
      %dma_start3A_60 = arith.constant 0 : i32
      %dma_start3A_61 = tpu.memref_slice %arg9[%run_scoped3A_35, %dma_start3A_60] : memref<16x5120xf32, #tpu.memory_space<vmem>> -> memref<1x5120xf32, #tpu.memory_space<vmem>>
      %dma_start3A_62 = tpu.memref_squeeze %dma_start3A_61 : memref<1x5120xf32, #tpu.memory_space<vmem>> -> memref<5120xf32, #tpu.memory_space<vmem>>
      %dma_start3A_63 = arith.constant 0 : i32
      %dma_start3A_64 = tpu.memref_slice %arg2[%run_scoped3A_34, %dma_start3A_63] : memref<16x163840xf32, #tpu.memory_space<hbm>> -> memref<1x163840xf32, #tpu.memory_space<hbm>>
      %dma_start3A_65 = tpu.memref_squeeze %dma_start3A_64 : memref<1x163840xf32, #tpu.memory_space<hbm>> -> memref<163840xf32, #tpu.memory_space<hbm>>
      %dma_start3A_66 = tpu.memref_slice %dma_start3A_65[%mul3A_2] : memref<163840xf32, #tpu.memory_space<hbm>> -> memref<5120xf32, #tpu.memory_space<hbm>>
      tpu.enqueue_dma source(%dma_start3A_66 : memref<5120xf32, #tpu.memory_space<hbm>>) target(%dma_start3A_62 : memref<5120xf32, #tpu.memory_space<vmem>>) target_semaphore(%run_scoped3A_53 : memref<!tpu.dma_semaphore, #tpu.memory_space<semaphore_mem>>)
      %dma_wait3A = arith.constant 0 : i32
      %dma_wait3A_67 = tpu.memref_slice %arg9[%run_scoped3A_35, %dma_wait3A] : memref<16x5120xf32, #tpu.memory_space<vmem>> -> memref<1x5120xf32, #tpu.memory_space<vmem>>
      %dma_wait3A_68 = tpu.memref_squeeze %dma_wait3A_67 : memref<1x5120xf32, #tpu.memory_space<vmem>> -> memref<5120xf32, #tpu.memory_space<vmem>>
      %dma_wait3A_69 = arith.constant 0 : i32
      %dma_wait3A_70 = tpu.memref_slice %arg2[%run_scoped3A_34, %dma_wait3A_69] : memref<16x163840xf32, #tpu.memory_space<hbm>> -> memref<1x163840xf32, #tpu.memory_space<hbm>>
      %dma_wait3A_71 = tpu.memref_squeeze %dma_wait3A_70 : memref<1x163840xf32, #tpu.memory_space<hbm>> -> memref<163840xf32, #tpu.memory_space<hbm>>
      %dma_wait3A_72 = tpu.memref_slice %dma_wait3A_71[%mul3A_2] : memref<163840xf32, #tpu.memory_space<hbm>> -> memref<5120xf32, #tpu.memory_space<hbm>>
      %dma_wait3A_73 = arith.constant 0 : i32
      %dma_wait3A_74 = tpu.memref_slice %arg9[%run_scoped3A_35, %dma_wait3A_73] : memref<16x5120xf32, #tpu.memory_space<vmem>> -> memref<1x5120xf32, #tpu.memory_space<vmem>>
      %dma_wait3A_75 = tpu.memref_squeeze %dma_wait3A_74 : memref<1x5120xf32, #tpu.memory_space<vmem>> -> memref<5120xf32, #tpu.memory_space<vmem>>
      %dma_wait3A_76 = arith.constant 0 : i32
      %dma_wait3A_77 = tpu.memref_slice %arg2[%run_scoped3A_34, %dma_wait3A_76] : memref<16x163840xf32, #tpu.memory_space<hbm>> -> memref<1x163840xf32, #tpu.memory_space<hbm>>
      %dma_wait3A_78 = tpu.memref_squeeze %dma_wait3A_77 : memref<1x163840xf32, #tpu.memory_space<hbm>> -> memref<163840xf32, #tpu.memory_space<hbm>>
      %dma_wait3A_79 = tpu.memref_slice %dma_wait3A_78[%mul3A_2] : memref<163840xf32, #tpu.memory_space<hbm>> -> memref<5120xf32, #tpu.memory_space<hbm>>
      tpu.wait_dma2 semaphore(%run_scoped3A_53 : memref<!tpu.dma_semaphore, #tpu.memory_space<semaphore_mem>>) src(%dma_wait3A_79 : memref<5120xf32, #tpu.memory_space<hbm>>) dst(%dma_wait3A_75 : memref<5120xf32, #tpu.memory_space<vmem>>)
      tpu.yield
    }) : () -> ()
    "tpu.region"() ({
      %run_scoped3A_53 = tpu.sem_alloc : memref<!tpu.dma_semaphore, #tpu.memory_space<semaphore_mem>>
      tpu.enqueue_dma source(%arg5 : memref<128x16xf32, #tpu.memory_space<hbm>>) target(%arg11 : memref<128x16xf32, #tpu.memory_space<vmem>>) target_semaphore(%run_scoped3A_53 : memref<!tpu.dma_semaphore, #tpu.memory_space<semaphore_mem>>)
      tpu.wait_dma2 semaphore(%run_scoped3A_53 : memref<!tpu.dma_semaphore, #tpu.memory_space<semaphore_mem>>) src(%arg5 : memref<128x16xf32, #tpu.memory_space<hbm>>) dst(%arg11 : memref<128x16xf32, #tpu.memory_space<vmem>>)
      tpu.yield
    }) : () -> ()
    %eq3A = arith.constant 0 : i32
    %eq3A_36 = arith.cmpi eq, %arg1, %eq3A : i32
    %convert_element_type3A = arith.extui %eq3A_36 : i1 to i32
    %cond3A = arith.constant 0 : i32
    %cond3A_37 = arith.cmpi ne, %convert_element_type3A, %cond3A : i32
    scf.if %cond3A_37 {
      "tpu.region"() ({
        %run_scoped3A_53 = tpu.sem_alloc : memref<!tpu.dma_semaphore, #tpu.memory_space<semaphore_mem>>
        tpu.enqueue_dma source(%arg4 : memref<10240x16xf32, #tpu.memory_space<hbm>>) target(%arg12 : memref<10240x16xf32, #tpu.memory_space<vmem_shared>>) target_semaphore(%run_scoped3A_53 : memref<!tpu.dma_semaphore, #tpu.memory_space<semaphore_mem>>)
        tpu.wait_dma2 semaphore(%run_scoped3A_53 : memref<!tpu.dma_semaphore, #tpu.memory_space<semaphore_mem>>) src(%arg4 : memref<10240x16xf32, #tpu.memory_space<hbm>>) dst(%arg12 : memref<10240x16xf32, #tpu.memory_space<vmem_shared>>)
        tpu.yield
      }) : () -> ()
      "tpu.region"() ({
        %run_scoped3A_53 = tpu.sem_alloc : memref<!tpu.dma_semaphore, #tpu.memory_space<semaphore_mem>>
        tpu.enqueue_dma source(%arg4 : memref<10240x16xf32, #tpu.memory_space<hbm>>) target(%arg13 : memref<10240x16xf32, #tpu.memory_space<vmem_shared>>) target_semaphore(%run_scoped3A_53 : memref<!tpu.dma_semaphore, #tpu.memory_space<semaphore_mem>>)
        tpu.wait_dma2 semaphore(%run_scoped3A_53 : memref<!tpu.dma_semaphore, #tpu.memory_space<semaphore_mem>>) src(%arg4 : memref<10240x16xf32, #tpu.memory_space<hbm>>) dst(%arg13 : memref<10240x16xf32, #tpu.memory_space<vmem_shared>>)
        tpu.yield
      }) : () -> ()
    } else {
    }
    %barrier3A = arith.constant 0 : index
    tpu.barrier barrier_id(%barrier3A)
    %iota3A = tpu.iota {dimensions = array<i32: 0>} : vector<16xi32>
    %scan3A = arith.constant 0 : i32
    %scan3A_38 = arith.constant 0 : i32
    %scan3A_39 = arith.constant 40 : i32
    %scan3A_40 = arith.addi %scan3A_38, %scan3A_39 : i32
    %scan3A_41 = arith.constant 1 : i32
    scf.for %scan3A_53 = %scan3A_38 to %scan3A_40 step %scan3A_41  : i32 {
      %scan3A_54 = arith.constant 0 : i32
      %scan3A_55 = arith.constant 0 : i32
      %scan3A_56 = arith.constant 128 : i32
      %scan3A_57 = arith.addi %scan3A_55, %scan3A_56 : i32
      %scan3A_58 = arith.constant 1 : i32
      scf.for %scan3A_60 = %scan3A_55 to %scan3A_57 step %scan3A_58  : i32 {
        %mul3A_61 = arith.constant 128 : i32
        %mul3A_62 = arith.muli %scan3A_53, %mul3A_61 : i32
        %add3A_63 = arith.addi %mul3A_62, %scan3A_60 : i32
        %broadcast_in_dim3A = vector.broadcast %add3A_63 : i32 to vector<16xi32>
        %gather3A = tpu.vector_load_idx %arg9[%iota3A, %broadcast_in_dim3A] : memref<16x5120xf32, #tpu.memory_space<vmem>>[vector<16xi32>, vector<16xi32>], vector<16xf32>,
        %swap3A = arith.index_cast %scan3A_60 : i32 to index
        %swap3A_64 = arith.constant 0 : index
        %swap3A_65 = tpu.vector_load %arg10[%swap3A, %swap3A_64] {strides = array<i32>} : memref<128x16xf32, #tpu.memory_space<vmem>>, vector<16xf32>,
        tpu.vector_store %arg10[%swap3A, %swap3A_64], %gather3A {strides = array<i32>} : memref<128x16xf32, #tpu.memory_space<vmem>>, vector<16xf32>,
      }
      %scan3A_59 = arith.constant 128 : i32
      "tpu.region"() ({
        %run_scoped3A_60 = tpu.sem_alloc : memref<!tpu.dma_semaphore, #tpu.memory_space<semaphore_mem>>
        %dma_start3A = arith.constant 0 : i32
        %dma_start3A_61 = tpu.memref_slice %arg8[%scan3A_53, %dma_start3A] : memref<40x128xi32, #tpu.memory_space<vmem>> -> memref<1x128xi32, #tpu.memory_space<vmem>>
        %dma_start3A_62 = tpu.memref_squeeze %dma_start3A_61 : memref<1x128xi32, #tpu.memory_space<vmem>> -> memref<128xi32, #tpu.memory_space<vmem>>
        %dma_start3A_63 = arith.constant 0 : i32
        %dma_start3A_64 = arith.constant 0 : i32
        %dma_start3A_65 = tpu.memref_slice %arg12[%dma_start3A_63, %dma_start3A_64] : memref<10240x16xf32, #tpu.memory_space<vmem_shared>> -> memref<10240x16xf32, #tpu.memory_space<vmem_shared>>
        tpu.enqueue_indirect_dma source(%arg10 : memref<128x16xf32, #tpu.memory_space<vmem>>) target(%dma_start3A_65 : memref<10240x16xf32, #tpu.memory_space<vmem_shared>>) offsets(%dma_start3A_62 : memref<128xi32, #tpu.memory_space<vmem>>) semaphore(%run_scoped3A_60 : memref<!tpu.dma_semaphore, #tpu.memory_space<semaphore_mem>>) {add = true}
        %dma_wait3A = arith.constant 0 : i32
        %dma_wait3A_66 = tpu.memref_slice %arg8[%scan3A_53, %dma_wait3A] : memref<40x128xi32, #tpu.memory_space<vmem>> -> memref<1x128xi32, #tpu.memory_space<vmem>>
        %dma_wait3A_67 = tpu.memref_squeeze %dma_wait3A_66 : memref<1x128xi32, #tpu.memory_space<vmem>> -> memref<128xi32, #tpu.memory_space<vmem>>
        %dma_wait3A_68 = arith.constant 0 : i32
        %dma_wait3A_69 = arith.constant 0 : i32
        %dma_wait3A_70 = tpu.memref_slice %arg12[%dma_wait3A_68, %dma_wait3A_69] : memref<10240x16xf32, #tpu.memory_space<vmem_shared>> -> memref<10240x16xf32, #tpu.memory_space<vmem_shared>>
        tpu.wait_indirect_dma semaphore(%run_scoped3A_60 : memref<!tpu.dma_semaphore, #tpu.memory_space<semaphore_mem>>) src(%arg10 : memref<128x16xf32, #tpu.memory_space<vmem>>) dst(%dma_wait3A_70 : memref<10240x16xf32, #tpu.memory_space<vmem_shared>>)
        tpu.yield
      }) : () -> ()
      "tpu.region"() ({
        %run_scoped3A_60 = tpu.sem_alloc : memref<!tpu.dma_semaphore, #tpu.memory_space<semaphore_mem>>
        %dma_start3A = arith.constant 0 : i32
        %dma_start3A_61 = tpu.memref_slice %arg8[%scan3A_53, %dma_start3A] : memref<40x128xi32, #tpu.memory_space<vmem>> -> memref<1x128xi32, #tpu.memory_space<vmem>>
        %dma_start3A_62 = tpu.memref_squeeze %dma_start3A_61 : memref<1x128xi32, #tpu.memory_space<vmem>> -> memref<128xi32, #tpu.memory_space<vmem>>
        %dma_start3A_63 = arith.constant 0 : i32
        %dma_start3A_64 = arith.constant 0 : i32
        %dma_start3A_65 = tpu.memref_slice %arg13[%dma_start3A_63, %dma_start3A_64] : memref<10240x16xf32, #tpu.memory_space<vmem_shared>> -> memref<10240x16xf32, #tpu.memory_space<vmem_shared>>
        tpu.enqueue_indirect_dma source(%arg11 : memref<128x16xf32, #tpu.memory_space<vmem>>) target(%dma_start3A_65 : memref<10240x16xf32, #tpu.memory_space<vmem_shared>>) offsets(%dma_start3A_62 : memref<128xi32, #tpu.memory_space<vmem>>) semaphore(%run_scoped3A_60 : memref<!tpu.dma_semaphore, #tpu.memory_space<semaphore_mem>>) {add = true}
        %dma_wait3A = arith.constant 0 : i32
        %dma_wait3A_66 = tpu.memref_slice %arg8[%scan3A_53, %dma_wait3A] : memref<40x128xi32, #tpu.memory_space<vmem>> -> memref<1x128xi32, #tpu.memory_space<vmem>>
        %dma_wait3A_67 = tpu.memref_squeeze %dma_wait3A_66 : memref<1x128xi32, #tpu.memory_space<vmem>> -> memref<128xi32, #tpu.memory_space<vmem>>
        %dma_wait3A_68 = arith.constant 0 : i32
        %dma_wait3A_69 = arith.constant 0 : i32
        %dma_wait3A_70 = tpu.memref_slice %arg13[%dma_wait3A_68, %dma_wait3A_69] : memref<10240x16xf32, #tpu.memory_space<vmem_shared>> -> memref<10240x16xf32, #tpu.memory_space<vmem_shared>>
        tpu.wait_indirect_dma semaphore(%run_scoped3A_60 : memref<!tpu.dma_semaphore, #tpu.memory_space<semaphore_mem>>) src(%arg11 : memref<128x16xf32, #tpu.memory_space<vmem>>) dst(%dma_wait3A_70 : memref<10240x16xf32, #tpu.memory_space<vmem_shared>>)
        tpu.yield
      }) : () -> ()
    }
    %scan3A_42 = arith.constant 40 : i32
    %barrier3A_43 = arith.constant 0 : index
    tpu.barrier barrier_id(%barrier3A_43)
    %mul3A_44 = arith.constant 10240 : i32
    %mul3A_45 = arith.muli %arg0, %mul3A_44 : i32
    %mul3A_46 = arith.constant 640 : i32
    %mul3A_47 = arith.muli %arg1, %mul3A_46 : i32
    %add3A_48 = arith.addi %mul3A_45, %mul3A_47 : i32
    %mul3A_49 = arith.constant 640 : i32
    %mul3A_50 = arith.muli %arg1, %mul3A_49 : i32
    "tpu.region"() ({
      %run_scoped3A_53 = tpu.sem_alloc : memref<!tpu.dma_semaphore, #tpu.memory_space<semaphore_mem>>
      %dma_start3A = arith.constant 0 : i32
      %dma_start3A_54 = tpu.memref_slice %arg6[%add3A_48, %dma_start3A] : memref<20480x16xf32, #tpu.memory_space<hbm>> -> memref<640x16xf32, #tpu.memory_space<hbm>>
      %dma_start3A_55 = arith.constant 0 : i32
      %dma_start3A_56 = tpu.memref_slice %arg12[%mul3A_50, %dma_start3A_55] : memref<10240x16xf32, #tpu.memory_space<vmem_shared>> -> memref<640x16xf32, #tpu.memory_space<vmem_shared>>
      tpu.enqueue_dma source(%dma_start3A_56 : memref<640x16xf32, #tpu.memory_space<vmem_shared>>) target(%dma_start3A_54 : memref<640x16xf32, #tpu.memory_space<hbm>>) target_semaphore(%run_scoped3A_53 : memref<!tpu.dma_semaphore, #tpu.memory_space<semaphore_mem>>)
      %dma_wait3A = arith.constant 0 : i32
      %dma_wait3A_57 = tpu.memref_slice %arg6[%add3A_48, %dma_wait3A] : memref<20480x16xf32, #tpu.memory_space<hbm>> -> memref<640x16xf32, #tpu.memory_space<hbm>>
      %dma_wait3A_58 = arith.constant 0 : i32
      %dma_wait3A_59 = tpu.memref_slice %arg12[%mul3A_50, %dma_wait3A_58] : memref<10240x16xf32, #tpu.memory_space<vmem_shared>> -> memref<640x16xf32, #tpu.memory_space<vmem_shared>>
      tpu.wait_dma2 semaphore(%run_scoped3A_53 : memref<!tpu.dma_semaphore, #tpu.memory_space<semaphore_mem>>) src(%dma_wait3A_59 : memref<640x16xf32, #tpu.memory_space<vmem_shared>>) dst(%dma_wait3A_57 : memref<640x16xf32, #tpu.memory_space<hbm>>)
      tpu.yield
    }) : () -> ()
    %mul3A_51 = arith.constant 640 : i32
    %mul3A_52 = arith.muli %arg1, %mul3A_51 : i32
    "tpu.region"() ({
      %run_scoped3A_53 = tpu.sem_alloc : memref<!tpu.dma_semaphore, #tpu.memory_space<semaphore_mem>>
      %dma_start3A = arith.constant 0 : i32
      %dma_start3A_54 = tpu.memref_slice %arg7[%add3A_48, %dma_start3A] : memref<20480x16xf32, #tpu.memory_space<hbm>> -> memref<640x16xf32, #tpu.memory_space<hbm>>
      %dma_start3A_55 = arith.constant 0 : i32
      %dma_start3A_56 = tpu.memref_slice %arg13[%mul3A_52, %dma_start3A_55] : memref<10240x16xf32, #tpu.memory_space<vmem_shared>> -> memref<640x16xf32, #tpu.memory_space<vmem_shared>>
      tpu.enqueue_dma source(%dma_start3A_56 : memref<640x16xf32, #tpu.memory_space<vmem_shared>>) target(%dma_start3A_54 : memref<640x16xf32, #tpu.memory_space<hbm>>) target_semaphore(%run_scoped3A_53 : memref<!tpu.dma_semaphore, #tpu.memory_space<semaphore_mem>>)
      %dma_wait3A = arith.constant 0 : i32
      %dma_wait3A_57 = tpu.memref_slice %arg7[%add3A_48, %dma_wait3A] : memref<20480x16xf32, #tpu.memory_space<hbm>> -> memref<640x16xf32, #tpu.memory_space<hbm>>
      %dma_wait3A_58 = arith.constant 0 : i32
      %dma_wait3A_59 = tpu.memref_slice %arg13[%mul3A_52, %dma_wait3A_58] : memref<10240x16xf32, #tpu.memory_space<vmem_shared>> -> memref<640x16xf32, #tpu.memory_space<vmem_shared>>
      tpu.wait_dma2 semaphore(%run_scoped3A_53 : memref<!tpu.dma_semaphore, #tpu.memory_space<semaphore_mem>>) src(%dma_wait3A_59 : memref<640x16xf32, #tpu.memory_space<vmem_shared>>) dst(%dma_wait3A_57 : memref<640x16xf32, #tpu.memory_space<hbm>>)
      tpu.yield
    }) : () -> ()
    return
  }
}

module attributes {stable_mosaic.version = 14 : i64} {
  func.func @_mlp_body(%arg0: i32, %arg1: memref<8x2048xbf16, #tpu.memory_space<vmem>>, %arg2: memref<2048x16xbf16, #tpu.memory_space<vmem>>, %arg3: memref<8x128xf32, #tpu.memory_space<vmem>>, %arg4: memref<1x128xf32, #tpu.memory_space<vmem>>, %arg5: memref<128x128xf32, #tpu.memory_space<vmem>>, %arg6: memref<1x128xf32, #tpu.memory_space<vmem>>, %arg7: memref<128x128xf32, #tpu.memory_space<vmem>>, %arg8: memref<1x128xf32, #tpu.memory_space<vmem>>, %arg9: memref<128x256xf32, #tpu.memory_space<vmem>>, %arg10: memref<1x256xf32, #tpu.memory_space<vmem>>, %arg11: memref<16x256xf32, #tpu.memory_space<vmem>>, %arg12: memref<256x16xf32, #tpu.memory_space<vmem>>, %arg13: memref<16x2048xf32, #tpu.memory_space<vmem>>) attributes {dimension_semantics = [#tpu.dimension_semantics<arbitrary>], iteration_bounds = array<i64: 80>, scalar_prefetch = 0 : i64, scratch_operands = 0 : i64, tpu.core_type = #tpu.core_type<tc>, window_params = [{transform_indices = @transform_0, window_bounds = array<i64: 8, 2048>}, {transform_indices = @transform_1, window_bounds = array<i64: 2048, 16>}, {pipeline_mode = #tpu.pipeline_mode<synchronous>, transform_indices = @transform_2, window_bounds = array<i64: 8, 128>}, {pipeline_mode = #tpu.pipeline_mode<synchronous>, transform_indices = @transform_3, window_bounds = array<i64: 1, 128>}, {pipeline_mode = #tpu.pipeline_mode<synchronous>, transform_indices = @transform_4, window_bounds = array<i64: 128, 128>}, {pipeline_mode = #tpu.pipeline_mode<synchronous>, transform_indices = @transform_5, window_bounds = array<i64: 1, 128>}, {pipeline_mode = #tpu.pipeline_mode<synchronous>, transform_indices = @transform_6, window_bounds = array<i64: 128, 128>}, {pipeline_mode = #tpu.pipeline_mode<synchronous>, transform_indices = @transform_7, window_bounds = array<i64: 1, 128>}, {pipeline_mode = #tpu.pipeline_mode<synchronous>, transform_indices = @transform_8, window_bounds = array<i64: 128, 256>}, {pipeline_mode = #tpu.pipeline_mode<synchronous>, transform_indices = @transform_9, window_bounds = array<i64: 1, 256>}, {pipeline_mode = #tpu.pipeline_mode<synchronous>, transform_indices = @transform_10, window_bounds = array<i64: 16, 256>}, {pipeline_mode = #tpu.pipeline_mode<synchronous>, transform_indices = @transform_11, window_bounds = array<i64: 256, 16>}, {transform_indices = @transform_12, window_bounds = array<i64: 16, 2048>}]} {
    %get3A = arith.constant 0 : index
    %get3A_0 = arith.constant 0 : index
    %get3A_1 = vector.load %arg1[%get3A, %get3A_0] : memref<8x2048xbf16, #tpu.memory_space<vmem>>, vector<8x2048xbf16>
    %get3A_2 = arith.constant 0 : index
    %get3A_3 = arith.constant 0 : index
    %get3A_4 = vector.load %arg3[%get3A_2, %get3A_3] : memref<8x128xf32, #tpu.memory_space<vmem>>, vector<8x128xf32>
    %convert_element_type3A = arith.truncf %get3A_4 : vector<8x128xf32> to vector<8x128xbf16>
    %dot_general3A = arith.constant dense<0.000000e+00> : vector<2048x128xf32>
    %dot_general3A_5 = tpu.matmul %get3A_1, %convert_element_type3A, %dot_general3A {dimension_numbers = #tpu.dot_dimension_numbers<[0], [0], [1], [1], [0, 1, 1, 1], [], []>, transpose_lhs_hint = false} : vector<8x2048xbf16>, vector<8x128xbf16>, vector<2048x128xf32> -> vector<2048x128xf32>
    %get3A_6 = arith.constant 0 : index
    %get3A_7 = arith.constant 0 : index
    %get3A_8 = vector.load %arg4[%get3A_6, %get3A_7] : memref<1x128xf32, #tpu.memory_space<vmem>>, vector<1x128xf32>
    %add3A = vector.broadcast %get3A_8 : vector<1x128xf32> to vector<2048x128xf32>
    %add3A_9 = arith.addf %dot_general3A_5, %add3A : vector<2048x128xf32>
    %max3A = arith.constant 0.000000e+00 : f32
    %max3A_10 = vector.broadcast %max3A : f32 to vector<2048x128xf32>
    %max3A_11 = arith.maximumf %add3A_9, %max3A_10 : vector<2048x128xf32>
    %get3A_12 = arith.constant 0 : index
    %get3A_13 = arith.constant 0 : index
    %get3A_14 = vector.load %arg5[%get3A_12, %get3A_13] : memref<128x128xf32, #tpu.memory_space<vmem>>, vector<128x128xf32>
    %convert_element_type3A_15 = arith.truncf %max3A_11 : vector<2048x128xf32> to vector<2048x128xbf16>
    %convert_element_type3A_16 = arith.truncf %get3A_14 : vector<128x128xf32> to vector<128x128xbf16>
    %dot_general3A_17 = arith.constant dense<0.000000e+00> : vector<2048x128xf32>
    %dot_general3A_18 = tpu.matmul %convert_element_type3A_15, %convert_element_type3A_16, %dot_general3A_17 {dimension_numbers = #tpu.dot_dimension_numbers<[1], [0], [0], [1], [0, 0, 1, 1], [], []>, transpose_lhs_hint = false} : vector<2048x128xbf16>, vector<128x128xbf16>, vector<2048x128xf32> -> vector<2048x128xf32>
    %get3A_19 = arith.constant 0 : index
    %get3A_20 = arith.constant 0 : index
    %get3A_21 = vector.load %arg6[%get3A_19, %get3A_20] : memref<1x128xf32, #tpu.memory_space<vmem>>, vector<1x128xf32>
    %add3A_22 = vector.broadcast %get3A_21 : vector<1x128xf32> to vector<2048x128xf32>
    %add3A_23 = arith.addf %dot_general3A_18, %add3A_22 : vector<2048x128xf32>
    %max3A_24 = arith.constant 0.000000e+00 : f32
    %max3A_25 = vector.broadcast %max3A_24 : f32 to vector<2048x128xf32>
    %max3A_26 = arith.maximumf %add3A_23, %max3A_25 : vector<2048x128xf32>
    %get3A_27 = arith.constant 0 : index
    %get3A_28 = arith.constant 0 : index
    %get3A_29 = vector.load %arg7[%get3A_27, %get3A_28] : memref<128x128xf32, #tpu.memory_space<vmem>>, vector<128x128xf32>
    %convert_element_type3A_30 = arith.truncf %max3A_26 : vector<2048x128xf32> to vector<2048x128xbf16>
    %convert_element_type3A_31 = arith.truncf %get3A_29 : vector<128x128xf32> to vector<128x128xbf16>
    %dot_general3A_32 = arith.constant dense<0.000000e+00> : vector<2048x128xf32>
    %dot_general3A_33 = tpu.matmul %convert_element_type3A_30, %convert_element_type3A_31, %dot_general3A_32 {dimension_numbers = #tpu.dot_dimension_numbers<[1], [0], [0], [1], [0, 0, 1, 1], [], []>, transpose_lhs_hint = false} : vector<2048x128xbf16>, vector<128x128xbf16>, vector<2048x128xf32> -> vector<2048x128xf32>
    %get3A_34 = arith.constant 0 : index
    %get3A_35 = arith.constant 0 : index
    %get3A_36 = vector.load %arg8[%get3A_34, %get3A_35] : memref<1x128xf32, #tpu.memory_space<vmem>>, vector<1x128xf32>
    %add3A_37 = vector.broadcast %get3A_36 : vector<1x128xf32> to vector<2048x128xf32>
    %add3A_38 = arith.addf %dot_general3A_33, %add3A_37 : vector<2048x128xf32>
    %max3A_39 = arith.constant 0.000000e+00 : f32
    %max3A_40 = vector.broadcast %max3A_39 : f32 to vector<2048x128xf32>
    %max3A_41 = arith.maximumf %add3A_38, %max3A_40 : vector<2048x128xf32>
    %get3A_42 = arith.constant 0 : index
    %get3A_43 = arith.constant 0 : index
    %get3A_44 = vector.load %arg9[%get3A_42, %get3A_43] : memref<128x256xf32, #tpu.memory_space<vmem>>, vector<128x256xf32>
    %convert_element_type3A_45 = arith.truncf %max3A_41 : vector<2048x128xf32> to vector<2048x128xbf16>
    %convert_element_type3A_46 = arith.truncf %get3A_44 : vector<128x256xf32> to vector<128x256xbf16>
    %dot_general3A_47 = arith.constant dense<0.000000e+00> : vector<2048x256xf32>
    %dot_general3A_48 = tpu.matmul %convert_element_type3A_45, %convert_element_type3A_46, %dot_general3A_47 {dimension_numbers = #tpu.dot_dimension_numbers<[1], [0], [0], [1], [0, 0, 1, 1], [], []>, transpose_lhs_hint = false} : vector<2048x128xbf16>, vector<128x256xbf16>, vector<2048x256xf32> -> vector<2048x256xf32>
    %get3A_49 = arith.constant 0 : index
    %get3A_50 = arith.constant 0 : index
    %get3A_51 = vector.load %arg10[%get3A_49, %get3A_50] : memref<1x256xf32, #tpu.memory_space<vmem>>, vector<1x256xf32>
    %add3A_52 = vector.broadcast %get3A_51 : vector<1x256xf32> to vector<2048x256xf32>
    %add3A_53 = arith.addf %dot_general3A_48, %add3A_52 : vector<2048x256xf32>
    %get3A_54 = arith.constant 0 : index
    %get3A_55 = arith.constant 0 : index
    %get3A_56 = vector.load %arg2[%get3A_54, %get3A_55] : memref<2048x16xbf16, #tpu.memory_space<vmem>>, vector<2048x16xbf16>
    %get3A_57 = arith.constant 0 : index
    %get3A_58 = arith.constant 0 : index
    %get3A_59 = vector.load %arg11[%get3A_57, %get3A_58] : memref<16x256xf32, #tpu.memory_space<vmem>>, vector<16x256xf32>
    %convert_element_type3A_60 = arith.truncf %get3A_59 : vector<16x256xf32> to vector<16x256xbf16>
    %dot_general3A_61 = arith.constant dense<0.000000e+00> : vector<2048x256xf32>
    %dot_general3A_62 = tpu.matmul %get3A_56, %convert_element_type3A_60, %dot_general3A_61 {dimension_numbers = #tpu.dot_dimension_numbers<[1], [0], [0], [1], [0, 0, 1, 1], [], []>, transpose_lhs_hint = false} : vector<2048x16xbf16>, vector<16x256xbf16>, vector<2048x256xf32> -> vector<2048x256xf32>
    %mul3A = arith.mulf %add3A_53, %dot_general3A_62 : vector<2048x256xf32>
    %convert_element_type3A_63 = arith.truncf %mul3A : vector<2048x256xf32> to vector<2048x256xbf16>
    %get3A_64 = arith.constant 0 : index
    %get3A_65 = arith.constant 0 : index
    %get3A_66 = vector.load %arg12[%get3A_64, %get3A_65] : memref<256x16xf32, #tpu.memory_space<vmem>>, vector<256x16xf32>
    %convert_element_type3A_67 = arith.truncf %get3A_66 : vector<256x16xf32> to vector<256x16xbf16>
    %dot_general3A_68 = arith.constant dense<0.000000e+00> : vector<16x2048xf32>
    %dot_general3A_69 = tpu.matmul %convert_element_type3A_67, %convert_element_type3A_63, %dot_general3A_68 {dimension_numbers = #tpu.dot_dimension_numbers<[0], [1], [1], [0], [0, 1, 1, 0], [], []>, transpose_lhs_hint = false} : vector<256x16xbf16>, vector<2048x256xbf16>, vector<16x2048xf32> -> vector<16x2048xf32>
    %swap3A = arith.constant 0 : index
    %swap3A_70 = arith.constant 0 : index
    %swap3A_71 = vector.load %arg13[%swap3A, %swap3A_70] : memref<16x2048xf32, #tpu.memory_space<vmem>>, vector<16x2048xf32>
    tpu.vector_store %arg13[%swap3A, %swap3A_70], %dot_general3A_69 {strides = array<i32>} : memref<16x2048xf32, #tpu.memory_space<vmem>>, vector<16x2048xf32>,
    return
  }
  func.func @transform_0(%arg0: i32) -> (i32, i32) {
    %c0_i32 = arith.constant 0 : i32
    %c0_i32_0 = arith.constant 0 : i32
    return %c0_i32, %arg0 : i32, i32
  }
  func.func @transform_1(%arg0: i32) -> (i32, i32) {
    %c0_i32 = arith.constant 0 : i32
    %c0_i32_0 = arith.constant 0 : i32
    return %arg0, %c0_i32 : i32, i32
  }
  func.func @transform_2(%arg0: i32) -> (i32, i32) {
    %c0_i32 = arith.constant 0 : i32
    %c0_i32_0 = arith.constant 0 : i32
    %c0_i32_1 = arith.constant 0 : i32
    return %c0_i32, %c0_i32_0 : i32, i32
  }
  func.func @transform_3(%arg0: i32) -> (i32, i32) {
    %c0_i32 = arith.constant 0 : i32
    %c0_i32_0 = arith.constant 0 : i32
    %c0_i32_1 = arith.constant 0 : i32
    return %c0_i32, %c0_i32_0 : i32, i32
  }
  func.func @transform_4(%arg0: i32) -> (i32, i32) {
    %c0_i32 = arith.constant 0 : i32
    %c0_i32_0 = arith.constant 0 : i32
    %c0_i32_1 = arith.constant 0 : i32
    return %c0_i32, %c0_i32_0 : i32, i32
  }
  func.func @transform_5(%arg0: i32) -> (i32, i32) {
    %c0_i32 = arith.constant 0 : i32
    %c0_i32_0 = arith.constant 0 : i32
    %c0_i32_1 = arith.constant 0 : i32
    return %c0_i32, %c0_i32_0 : i32, i32
  }
  func.func @transform_6(%arg0: i32) -> (i32, i32) {
    %c0_i32 = arith.constant 0 : i32
    %c0_i32_0 = arith.constant 0 : i32
    %c0_i32_1 = arith.constant 0 : i32
    return %c0_i32, %c0_i32_0 : i32, i32
  }
  func.func @transform_7(%arg0: i32) -> (i32, i32) {
    %c0_i32 = arith.constant 0 : i32
    %c0_i32_0 = arith.constant 0 : i32
    %c0_i32_1 = arith.constant 0 : i32
    return %c0_i32, %c0_i32_0 : i32, i32
  }
  func.func @transform_8(%arg0: i32) -> (i32, i32) {
    %c0_i32 = arith.constant 0 : i32
    %c0_i32_0 = arith.constant 0 : i32
    %c0_i32_1 = arith.constant 0 : i32
    return %c0_i32, %c0_i32_0 : i32, i32
  }
  func.func @transform_9(%arg0: i32) -> (i32, i32) {
    %c0_i32 = arith.constant 0 : i32
    %c0_i32_0 = arith.constant 0 : i32
    %c0_i32_1 = arith.constant 0 : i32
    return %c0_i32, %c0_i32_0 : i32, i32
  }
  func.func @transform_10(%arg0: i32) -> (i32, i32) {
    %c0_i32 = arith.constant 0 : i32
    %c0_i32_0 = arith.constant 0 : i32
    %c0_i32_1 = arith.constant 0 : i32
    return %c0_i32, %c0_i32_0 : i32, i32
  }
  func.func @transform_11(%arg0: i32) -> (i32, i32) {
    %c0_i32 = arith.constant 0 : i32
    %c0_i32_0 = arith.constant 0 : i32
    %c0_i32_1 = arith.constant 0 : i32
    return %c0_i32, %c0_i32_0 : i32, i32
  }
  func.func @transform_12(%arg0: i32) -> (i32, i32) {
    %c0_i32 = arith.constant 0 : i32
    %c0_i32_0 = arith.constant 0 : i32
    return %c0_i32, %arg0 : i32, i32
  }
}

module attributes {stable_mosaic.version = 14 : i64} {
  func.func @_final_body(%arg0: memref<10000x16xf32, #tpu.memory_space<vmem>>, %arg1: memref<10000x16xf32, #tpu.memory_space<vmem>>, %arg2: memref<10000x16xf32, #tpu.memory_space<vmem>>, %arg3: memref<10000x16xf32, #tpu.memory_space<vmem>>, %arg4: memref<10000x16xf32, #tpu.memory_space<vmem>>, %arg5: memref<16x16xf32, #tpu.memory_space<vmem>>, %arg6: memref<16xf32, #tpu.memory_space<vmem>>, %arg7: memref<10000x16xf32, #tpu.memory_space<vmem>>) attributes {dimension_semantics = [], scalar_prefetch = 0 : i64, scratch_operands = 0 : i64, tpu.core_type = #tpu.core_type<tc>} {
    %get3A = arith.constant 0 : index
    %get3A_0 = arith.constant 0 : index
    %get3A_1 = vector.load %arg2[%get3A, %get3A_0] : memref<10000x16xf32, #tpu.memory_space<vmem>>, vector<10000x16xf32>
    %get3A_2 = arith.constant 0 : index
    %get3A_3 = arith.constant 0 : index
    %get3A_4 = vector.load %arg3[%get3A_2, %get3A_3] : memref<10000x16xf32, #tpu.memory_space<vmem>>, vector<10000x16xf32>
    %add3A = arith.addf %get3A_1, %get3A_4 : vector<10000x16xf32>
    %max3A = arith.constant 1.000000e+00 : f32
    %max3A_5 = vector.broadcast %max3A : f32 to vector<10000x16xf32>
    %max3A_6 = arith.maximumf %add3A, %max3A_5 : vector<10000x16xf32>
    %get3A_7 = arith.constant 0 : index
    %get3A_8 = arith.constant 0 : index
    %get3A_9 = vector.load %arg0[%get3A_7, %get3A_8] : memref<10000x16xf32, #tpu.memory_space<vmem>>, vector<10000x16xf32>
    %get3A_10 = arith.constant 0 : index
    %get3A_11 = arith.constant 0 : index
    %get3A_12 = vector.load %arg1[%get3A_10, %get3A_11] : memref<10000x16xf32, #tpu.memory_space<vmem>>, vector<10000x16xf32>
    %add3A_13 = arith.addf %get3A_9, %get3A_12 : vector<10000x16xf32>
    %div3A = arith.divf %add3A_13, %max3A_6 : vector<10000x16xf32>
    %get3A_14 = arith.constant 0 : index
    %get3A_15 = arith.constant 0 : index
    %get3A_16 = vector.load %arg4[%get3A_14, %get3A_15] : memref<10000x16xf32, #tpu.memory_space<vmem>>, vector<10000x16xf32>
    %get3A_17 = arith.constant 0 : index
    %get3A_18 = arith.constant 0 : index
    %get3A_19 = vector.load %arg5[%get3A_17, %get3A_18] : memref<16x16xf32, #tpu.memory_space<vmem>>, vector<16x16xf32>
    %dot_general3A = arith.constant dense<0.000000e+00> : vector<10000x16xf32>
    %dot_general3A_20 = tpu.matmul %get3A_16, %get3A_19, %dot_general3A {dimension_numbers = #tpu.dot_dimension_numbers<[1], [0], [0], [1], [0, 0, 1, 1], [], []>, transpose_lhs_hint = false} : vector<10000x16xf32>, vector<16x16xf32>, vector<10000x16xf32> -> vector<10000x16xf32>
    %add3A_21 = arith.addf %div3A, %dot_general3A_20 : vector<10000x16xf32>
    %get3A_22 = arith.constant 0 : index
    %get3A_23 = vector.load %arg6[%get3A_22] : memref<16xf32, #tpu.memory_space<vmem>>, vector<16xf32>
    %broadcast_in_dim3A = vector.shape_cast %get3A_23 : vector<16xf32> to vector<1x16xf32>
    %add3A_24 = vector.broadcast %broadcast_in_dim3A : vector<1x16xf32> to vector<10000x16xf32>
    %add3A_25 = arith.addf %add3A_21, %add3A_24 : vector<10000x16xf32>
    %swap3A = arith.constant 0 : index
    %swap3A_26 = arith.constant 0 : index
    %swap3A_27 = vector.load %arg7[%swap3A, %swap3A_26] : memref<10000x16xf32, #tpu.memory_space<vmem>>, vector<10000x16xf32>
    tpu.vector_store %arg7[%swap3A, %swap3A_26], %add3A_25 {strides = array<i32>} : memref<10000x16xf32, #tpu.memory_space<vmem>>, vector<10000x16xf32>,
    return
  }
}

</mosaic_0001>

<sc_bundles>
// kernel: kernel.6.cloned.1.call-start
scs
__scs_entry_jumppad:
0x0: {  	(pc) =	sbr.rel $0x88, $3  }
0x1: {  	(tag) =	ssettag $0x0;
	lr =	simm.s32 $0x1  }
0x2: {  	[smem:$0x3F94] =	sst lr;
	_ =	strace $0xD0000000  }
0x3: {  	_ = 	snop  }
0x4: {  	_ = 	snop  }
0x5: {  	_ = 	snop  }
0x6: {  	_ = 	snop  }
0x7: {  	_ = 	snop  }
__scs_overlays_trampoline_lowered:
0x8: {  	[smem:$0x3FA3] =	sst s0  }
0x9: {  	[smem:$0x3FA4] =	sst s1  }
0xa: {  	[smem:$0x3FA5] =	sst s2  }
0xb: {  	[smem:$0x3FA6] =	sst s3  }
0xc: {  	[smem:$0x3FA7] =	sst s4  }
0xd: {  	[smem:$0x3FA8] =	sst s5  }
0xe: {  	[smem:$0x3FA9] =	sst s6  }
0xf: {  	[smem:$0x3FAA] =	sst s7  }
0x10: {  	[smem:$0x3FAB] =	sst s8  }
0x11: {  	[smem:$0x3FAC] =	sst s9;
	s0 =	simm.s32 @!p0 $0x0  }
0x12: {  	s1 =	sld [smem:$0x3F92];
	s0 =	simm.s32 @p0 $0x1  }
0x13: {  	[smem:$0x3FAD] =	sst s0;
	s0 =	simm.s32 @!p1 $0x0  }
0x14: {  	s2 =	sld [smem:$0x3F91];
	s0 =	simm.s32 @p1 $0x1  }
0x15: {  	[smem:$0x3FAE] =	sst s0;
	s0 =	simm.s32 @!p2 $0x0  }
0x16: {  	s3 =	sld [smem:$0x3FDB];
	s0 =	simm.s32 @p2 $0x1  }
0x17: {  	s4 =	simm.s32 $0x1BF5;
	[smem:$0x3FB0] =	sst s0  }
0x18: {  	s0 =	sld [smem:$0x3F93];
	_ =	swait.ge [sflag:s4], $0x0  }
0x19: {  	s7 =	sld [smem:$0x3F94]  }
0x1a: {  	s8 =	sadd.s32 $0xFFFFE003, lr  }
0x1b: {  	s9 =	sadd.s32 $0xFFFFFEF7, lr;
	s5 =	simm.s32 $0xFFFFFFFF;
	p2 =	slt.u32 s8, $0xFFFFF086  }
0x1c: {  	p1 =	slt.u32 s9, $0xF7A;
	s5 =	simm.s32 @!p2 $0x0  }
0x1d: {  	s5 =	simm.s32 @p1 $0x1;
	p0 =	seq.s32 s7, s2  }
0x1e: {  	s7 =	smul.u32 @!p0 $0xF7A, s2;
	p2 =	seq.s32 @!p0 s5, $0x0  }
0x1f: {  	s9 =	smul.u32 $0xF7A, s1;
	s8 =	simm.s32 @!p0 $0x1BF5;
	p2 =	por !p2, p0  }
0x20: {  	[sflag:s8] =	ssyncset.s32 @!p0 $0xFFFFF086;
	s6 =	sadd.s32 @!p0 s3, s7;
	s7 =	simm.s32 @!p0 $0x108  }
0x21: {  	s3 =	sadd.s32 s3, s9;
	s6 =	sadd.s32 @!p0 $0x88, s6;
	s7 =	simm.s32 @p2 $0x1082  }
0x22: {  	[simem:s7], [sflag:s8] =	dma.local @!p0 [hbm:s6], $0xF7A  }
0x23: {  	s9 =	sor.u32 $0xD0000000, s2;
	s6 =	simm.s32 $0x108;
	_ =	swait.ge @!p0 [sflag:s8], $0x0  }
0x24: {  	s3 =	sadd.s32 $0x88, s3;
	s6 =	simm.s32 @!p1 $0x1082;
	[sflag:s4] =	ssyncset.s32 $0xFFFFF086  }
0x25: {  	[simem:s6], [sflag:s4] =	dma.local [hbm:s3], $0xF7A  }
0x26: {  	[smem:$0x3F94] =	sst s1;
	(tag) =	ssettag s2;
	_ =	strace s9  }
0x27: {  	s1 =	sld [smem:$0x3FA4]  }
0x28: {  	s2 =	sld [smem:$0x3FA5]  }
0x29: {  	s4 =	sld [smem:$0x3FA7]  }
0x2a: {  	p0 =	seq.s32 s5, $0x0;
	s5 =	sld [smem:$0x3FA8]  }
0x2b: {  	s6 =	sld [smem:$0x3FA9]  }
0x2c: {  	s7 =	sld [smem:$0x3FAA]  }
0x2d: {  	s3 =	simm.s32 $0x108;
	s8 =	sld [smem:$0x3FAB]  }
0x2e: {  	s3 =	simm.s32 @!p0 $0x1082;
	s9 =	sld [smem:$0x3FAC]  }
0x2f: {  	lr =	sadd.s32 s0, s3;
	s0 =	sld [smem:$0x3FA3]  }
0x30: {  	s3 =	sld [smem:$0x3FA6]  }
0x31: {  	[smem:$0x3FAF] =	sst s10  }
0x32: {  	s10 =	sld [smem:$0x3FAD];
	_ =	sdelay $0x3  }
0x33: {  	p0 =	seq.s32 s10, $0x1;
	s10 =	sld [smem:$0x3FAF];
	_ =	sdelay $0x3  }
0x34: {  	[smem:$0x3FAF] =	sst s10  }
0x35: {  	s10 =	sld [smem:$0x3FAE];
	_ =	sdelay $0x3  }
0x36: {  	p1 =	seq.s32 s10, $0x1;
	s10 =	sld [smem:$0x3FAF];
	_ =	sdelay $0x3  }
0x37: {  	[smem:$0x3FAF] =	sst s10  }
0x38: {  	s10 =	sld [smem:$0x3FB0]  }
0x39: {  	_ = 	snop;
	(pc) =	sbr.ind lr, $3  }
0x3a: {  	_ = 	snop  }
0x3b: {  	_ = 	snop  }
0x3c: {  	p2 =	seq.s32 s10, $0x1;
	s10 =	sld [smem:$0x3FAF]  }
0x3d: {  	_ =	shalt  }
0x3e: {  	_ =	shalt  }
0x3f: {  	_ =	shalt  }
0x40: {  	_ =	shalt  }
0x41: {  	_ =	shalt  }
0x42: {  	_ =	shalt  }
0x43: {  	_ =	shalt  }
0x44: {  	_ =	shalt  }
0x45: {  	_ =	shalt  }
0x46: {  	_ =	shalt  }
0x47: {  	_ =	shalt  }
0x48: {  	_ =	shalt  }
0x49: {  	_ =	shalt  }
0x4a: {  	_ =	shalt  }
0x4b: {  	_ =	shalt  }
0x4c: {  	_ =	shalt  }
0x4d: {  	_ =	shalt  }
0x4e: {  	_ =	shalt  }
0x4f: {  	_ =	shalt  }
0x50: {  	_ =	shalt  }
0x51: {  	_ =	shalt  }
0x52: {  	_ =	shalt  }
0x53: {  	_ =	shalt  }
0x54: {  	_ =	shalt  }
0x55: {  	_ =	shalt  }
0x56: {  	_ =	shalt  }
0x57: {  	_ =	shalt  }
0x58: {  	_ =	shalt  }
0x59: {  	_ =	shalt  }
0x5a: {  	_ =	shalt  }
0x5b: {  	_ =	shalt  }
0x5c: {  	_ =	shalt  }
0x5d: {  	_ =	shalt  }
0x5e: {  	_ =	shalt  }
0x5f: {  	_ =	shalt  }
0x60: {  	_ =	shalt  }
0x61: {  	_ =	shalt  }
0x62: {  	_ =	shalt  }
0x63: {  	_ =	shalt  }
0x64: {  	_ =	shalt  }
0x65: {  	_ =	shalt  }
0x66: {  	_ =	shalt  }
0x67: {  	_ =	shalt  }
0x68: {  	_ =	shalt  }
0x69: {  	_ =	shalt  }
0x6a: {  	_ =	shalt  }
0x6b: {  	_ =	shalt  }
0x6c: {  	_ =	shalt  }
0x6d: {  	_ =	shalt  }
0x6e: {  	_ =	shalt  }
0x6f: {  	_ =	shalt  }
0x70: {  	_ =	shalt  }
0x71: {  	_ =	shalt  }
0x72: {  	_ =	shalt  }
0x73: {  	_ =	shalt  }
0x74: {  	_ =	shalt  }
0x75: {  	_ =	shalt  }
0x76: {  	_ =	shalt  }
0x77: {  	_ =	shalt  }
0x78: {  	_ =	shalt  }
0x79: {  	_ =	shalt  }
0x7a: {  	_ =	shalt  }
0x7b: {  	_ =	shalt  }
0x7c: {  	_ =	shalt  }
0x7d: {  	_ =	shalt  }
0x7e: {  	_ =	shalt  }
0x7f: {  	_ =	shalt  }
0x80: {  	_ =	shalt  }
0x81: {  	_ =	shalt  }
0x82: {  	_ =	shalt  }
0x83: {  	_ =	shalt  }
0x84: {  	_ =	shalt  }
0x85: {  	_ =	shalt  }
0x86: {  	_ =	shalt  }
0x87: {  	_ =	shalt  }
.Lfunc_end0:
.L_simem_size_0:
called_computation_lowered:
.L_overlay_start_0:
0x88: {  	s2 =	sld [smem:$0x3FD9]  }
0x89: {  	s3 =	sld [smem:$0x3FFE];
	_ =	sdelay $0x1  }
0x8a: {  	s1 =	srdreg.scid  }
0x8b: {  	s0 =	sand.u32 $0x1, s1  }
0x8c: {  	s17 =	sshll.u32 s0, $0xA;
	s2 =	sadd.s32 s3, s2  }
0x8d: {  	s2 =	sadd.s32 s2, s17  }
0x8e: {  	[smem:$0x3FBB] =	sst s2  }
0x8f: {  	_ = 	snop  }
0x90: {  	s2 =	sld [smem:$0x3FD0];
	(tm) =	ssettm $0x1  }
0x91: {  	s18 =	sld [smem:$0x3FFB];
	_ =	sdelay $0x3  }
0x92: {  	_ =	strace s18  }
0x93: {  	s3 =	sld [smem:$0x3FFC];
	_ =	sdelay $0x3  }
0x94: {  	_ =	strace s3  }
0x95: {  	s3 =	sld [smem:$0x3FFD];
	_ =	sdelay $0x3  }
0x96: {  	_ =	strace s3  }
0x97: {  	_ =	strace $0x8FFFFFFF  }
0x98: {  	s19 =	sld [smem:$0x3FDB];
	_ =	sdelay $0x1  }
0x99: {  	s4 =	simm.s32 $_scs_section_size  }
0x9a: {  	s5 =	simm.s32 $_size__tile_overlayer_lowered;
	s6 =	simm.s32 $_tile_overlayer_lowered  }
0x9b: {  	s22 =	simm.s32 $0x1BFF;
	s21 =	sshll.u32 s6, $0x1;
	s3 =	sadd.s32 s4, s19  }
0x9c: {  	s7 =	simm.s32 $0x0;
	s20 =	sshll.u32 s5, $0x1;
	s5 =	sadd.s32 s21, s3  }
0x9d: {  	[timem:s7], [sflag:s22] =	dma.local [hbm:s5], s20  }
0x9e: {  	_ =	swait.ge [sflag:s22], s20  }
0x9f: {  	s4 =	ssub.s32 $0x0, s20;
	[sflag:s22] =	ssyncset.done $0x0  }
0xa0: {  	[sflag:s22] =	ssyncadd.s32 s4;
	_ =	sdelay $0x1  }
0xa1: {  	s23 =	simm.s32 $0x1B8B  }
0xa2: {  	_ =	swait.ge [sflag:s23], $0x1  }
0xa3: {  	[sflag:s23] =	ssyncset.done $0x0  }
0xa4: {  	s25 =	simm.s32 $0x1B8E;
	s24 =	sld [smem:$0x3FFE];
	[sflag:s23] =	ssyncadd.s32 $0xFFFFFFFF  }
0xa5: {  	s26 =	simm.s32 $execute0_lowered;
	[smem:$0x3FD2] =	sst s25  }
0xa6: {  	s5 =	sshll.u32 s26, $0x1;
	_ =	strace $0x80000046;
	[dreg:$0x1] =	wrdreg $0xFFFFFFFF  }
0xa7: {  	s28 =	simm.s32 $_size_execute0_lowered;
	s3 =	sadd.s32 s3, s5;
	[dreg:$0x0] =	wrdreg $0x0  }
0xa8: {  	s5 =	sshll.u32 s28, $0x1;
	[dreg:$0x2] =	wrdreg s3  }
0xa9: {  	[dreg:$0x3] =	wrdreg s5  }
0xaa: {  	[dreg:$0x4] =	wrdreg $0xC0  }
0xab: {  	_ =	task [dreg:s7], $0x5FFFF  }
0xac: {  	[dreg:$0x1] =	wrdreg $0xFFFFFFFF  }
0xad: {  	[dreg:$0x0] =	wrdreg $0x60  }
0xae: {  	[dreg:$0x2] =	wrdreg s2  }
0xaf: {  	[dreg:$0x3] =	wrdreg s24  }
0xb0: {  	[dreg:$0x4] =	wrdreg $0x9  }
0xb1: {  	_ =	task.clear_ibuf [dreg:s7], $0x5FFFF;
	_ =	strace $0x90000046  }
0xb2: {  	s29 =	simm.s32 $0x9;
	_ =	strace $0x80000048  }
0xb3: {  	_ =	swait.ge [sflag:s29], $0x1  }
0xb4: {  	[sflag:s29] =	ssyncadd.s32 $0xFFFFFFFF  }
0xb5: {  	_ =	strace $0x90000048  }
0xb6: {  	_ =	sfence  }
0xb7: {  	s30 =	sld [smem:$0x0];
	_ =	sdelay $0x2  }
0xb8: {  	s31 =	sshll.u32 s1, $0xD;
	s1 =	sshrl.u32 s1, $0x2  }
0xb9: {  	s3 =	sand.u32 $0x4000, s31;
	s1 =	sadd.s32 s1, s30  }
0xba: {  	s0 =	sor.u32 s3, s0;
	s1 =	sshll.u32 s1, $0x11  }
0xbb: {  	s0 =	sor.u32 s1, s0  }
0xbc: {  	s0 =	sadd.s32 $0x8F2B, s0  }
0xbd: {  	[sflag:s0] =	ssyncadd.remote.s32 $0x1  }
0xbe: {  	_ =	sfence.sel $0xFFFF  }
0xbf: {  	[dreg:$0x0] =	wrdreg $0xFFFFFFFF;
	(pc) =	sbr.abs _section_cstart, $3  }
0xc0: {  	[dreg:$0x1] =	wrdreg $0xFFFFFFFF  }
0xc1: {  	_ =	task.clear_ibuf [dreg:s7], $0x2FFFF;
	_ =	strace $0x9FFFFFFF  }
0xc2: {  	(tm) =	ssettm $0x7FFFFFFF  }
0xc3: {  	_ =	shalt  }
tec
execute0_lowered:
.L_overlay_start_1:
0x0: {  	(tag) =	ssettag $0x1  }
0x1: {  	s0 =	srdreg.scid;
	s2 =	rddreg [dreg:$0x0]  }
0x2: {  	s5 =	rddreg [dreg:$0x1];
	s3 =	simm.s32 $0x0;
	s4 =	sand.u32 $0x1, s0  }
0x3: {  	s8 =	simm.s32 $0x80;
	s0 =	stileid.u32;
	s1 =	sshll.u32 s4, $0x4  }
0x4: {  	s9 =	simm.s32 $0x1;
	s10 =	simm.s32 $0x1400;
	s6 =	sor.u32 s0, s1  }
0x5: {  	s11 =	simm.s32 $0x0;
	[smem:$0x7FF] =	sst s3;
	s7 =	smul.u32 $0x280, s6  }
0x6: {  	s4 =	ssub.s32 $0x2, s4;
	s1 =	rddreg [dreg:$0x2];
	s6 =	smul.u32 $0x1400, s6  }
0x7: {  	_ =	strace $0x80000047;
	s31 =	sshrl.u32 s4, $0x1;
	s7 =	sadd.s32 s7, s5  }
0x8: {  	s5 =	sadd.s32 s6, s5;
	s6 =	ssub.s32 s4, s31;
	s4 =	sadd.s32 $0x2A00, s7  }
0x9: {  	s5 =	sadd.s32 $0x7A00, s5;
	s6 =	smax.u32 s6, $0x1;
	s7 =	simm.s32 $0x2  }
.LBB2_1:
0xa: {  	[tilespmem:s3], [sflag:$0x2] =	stream.linear.gather [hbm4b:s4+s3], $0x1400, $0x38;
	[tilespmem:$0xB400] =	vst v63  }
0xb: {  	_ =	swait.ge [sflag:s7], $0x1400  }
0xc: {  	[sflag:s7] =	ssyncset.done $0x0  }
0xd: {  	s12 =	simm.s32 $0x1400;
	s13 =	simm.s32 $0x0;
	[sflag:s7] =	ssyncadd.s32 $0xFFFFEC00  }
.LBB2_2:
0xe: {  	p0 =	sne.s32 s13, $0x4E00  }
.Ltmp0:
0xf: {  	_ = 	snop;
	(pc) =	sbr.rel @p0 .LBB2_2-.Ltmp0, $4  }
0x10: {  	_ = 	snop  }
0x11: {  	s14 =	sshra.s32 s13, $0x2  }
0x12: {  	[tilespmem:s12], [sflag:$0x1] =	stream.indirect.gather [hbm4b:s2+s8], $0x8, s14, s8, $0xb8;
	[tilespmem:$0xB400] =	vst v63  }
0x13: {  	s13 =	sadd.s32 $0x200, s13;
	s12 =	sadd.s32 $0x400, s12  }
0x14: {  	_ =	swait.ge [sflag:s9], $0x400  }
0x15: {  	s12 =	simm.s32 $0x27;
	[sflag:s9] =	ssyncset.done $0x0  }
.LBB2_4:
0x16: {  	p0 =	sne.s32 s12, $0x1;
	s12 =	sadd.s32 $0xFFFFFFFF, s12;
	[sflag:s9] =	ssyncadd.s32 $0xFFFFFC00  }
.Ltmp1:
0x17: {  	(pc) =	sbr.rel @p0 .LBB2_4-.Ltmp1, $3  }
0x18: {  	_ =	sdelay $0x1  }
0x19: {  	_ =	swait.ge [sflag:s9], $0x400  }
0x1a: {  	[sflag:s9] =	ssyncset.done $0x0  }
0x1b: {  	s11 =	sadd.s32 $0x1, s11  }
0x1c: {  	p0 =	sne.s32 s11, s6  }
.Ltmp2:
0x1d: {  	[sflag:s9] =	ssyncadd.s32 $0xFFFFFC00;
	(pc) =	sbr.rel @p0 .LBB2_1-.Ltmp2, $4  }
0x1e: {  	[hbm4b:s5+s3] =	stream.linear.scatter [tilespmem:s10], [sflag:$0x2], $0xA000, $0x38;
	[tilespmem:$0xB400] =	vst v63  }
0x1f: {  	_ =	swait.ge [sflag:s7], $0xA000  }
0x20: {  	[sflag:s7] =	ssyncset.done $0x0  }
0x21: {  	[sflag:s7] =	ssyncadd.s32 $0xFFFF6000  }
0x22: {  	_ =	sfence.sel $0x180000  }
0x23: {  	[bflag:$0x0] =	sbarrier.arrive $0xFFFF  }
0x24: {  	p0 =	sne.s32 s0, $0x0;
	_ =	strace $0x90000047  }
0x25: {  	s0 =	sadd.s32 @!p0 $0x100000, s1;
	[bflag:$0x2] =	sbarrier.arrive $0xFFFF  }
0x26: {  	[sflag:s0] =	ssyncadd.tile.s32 @!p0 $0x1;
	_ =	shalt  }
.Lfunc_end2:
_tile_overlayer_lowered:
.L_overlay_start_2:
0x27: {  	(tag) =	ssettag $0x2  }
0x28: {  	s0 =	rddreg [dreg:$0x0];
	s2 =	stileid.u32  }
0x29: {  	s1 =	rddreg [dreg:$0x1];
	p0 =	sne.s32 s2, $0x0  }
0x2a: {  	s3 =	rddreg [dreg:$0x2];
	[bflag:$0x3] =	sbarrier.arrive $0xFFFF;
	s2 =	simm.s32 @!p0 $0x1C02  }
0x2b: {  	[timem:s3], [sflag:s2] =	dma.local @!p0 [hbm:s0], s1  }
0x2c: {  	s0 =	simm.s32 @!p0 $0x2  }
0x2d: {  	_ =	swait.ge @!p0 [sflag:s0], s1  }
0x2e: {  	s1 =	ssub.s32 @!p0 $0x0, s1;
	[sflag:s0] =	ssyncset.done @!p0 $0x0  }
0x2f: {  	[sflag:s0] =	ssyncadd.s32 @!p0 s1  }
0x30: {  	[bflag:$0x3] =	sbarrier.arrive $0xFFFF  }
0x31: {  	_ =	shalt  }

// kernel: kernel.9.cloned.1.call-start
scs
__scs_entry_jumppad:
0x0: {  	(pc) =	sbr.rel $0x88, $3  }
0x1: {  	(tag) =	ssettag $0x0;
	lr =	simm.s32 $0x1  }
0x2: {  	[smem:$0x3F94] =	sst lr;
	_ =	strace $0xD0000000  }
0x3: {  	_ = 	snop  }
0x4: {  	_ = 	snop  }
0x5: {  	_ = 	snop  }
0x6: {  	_ = 	snop  }
0x7: {  	_ = 	snop  }
__scs_overlays_trampoline_lowered:
0x8: {  	[smem:$0x3FA3] =	sst s0  }
0x9: {  	[smem:$0x3FA4] =	sst s1  }
0xa: {  	[smem:$0x3FA5] =	sst s2  }
0xb: {  	[smem:$0x3FA6] =	sst s3  }
0xc: {  	[smem:$0x3FA7] =	sst s4  }
0xd: {  	[smem:$0x3FA8] =	sst s5  }
0xe: {  	[smem:$0x3FA9] =	sst s6  }
0xf: {  	[smem:$0x3FAA] =	sst s7  }
0x10: {  	[smem:$0x3FAB] =	sst s8  }
0x11: {  	[smem:$0x3FAC] =	sst s9;
	s0 =	simm.s32 @!p0 $0x0  }
0x12: {  	s1 =	sld [smem:$0x3F92];
	s0 =	simm.s32 @p0 $0x1  }
0x13: {  	[smem:$0x3FAD] =	sst s0;
	s0 =	simm.s32 @!p1 $0x0  }
0x14: {  	s2 =	sld [smem:$0x3F91];
	s0 =	simm.s32 @p1 $0x1  }
0x15: {  	[smem:$0x3FAE] =	sst s0;
	s0 =	simm.s32 @!p2 $0x0  }
0x16: {  	s3 =	sld [smem:$0x3FDB];
	s0 =	simm.s32 @p2 $0x1  }
0x17: {  	s4 =	simm.s32 $0x1BF5;
	[smem:$0x3FB0] =	sst s0  }
0x18: {  	s0 =	sld [smem:$0x3F93];
	_ =	swait.ge [sflag:s4], $0x0  }
0x19: {  	s7 =	sld [smem:$0x3F94]  }
0x1a: {  	s8 =	sadd.s32 $0xFFFFE003, lr  }
0x1b: {  	s9 =	sadd.s32 $0xFFFFFEF7, lr;
	s5 =	simm.s32 $0xFFFFFFFF;
	p2 =	slt.u32 s8, $0xFFFFF086  }
0x1c: {  	p1 =	slt.u32 s9, $0xF7A;
	s5 =	simm.s32 @!p2 $0x0  }
0x1d: {  	s5 =	simm.s32 @p1 $0x1;
	p0 =	seq.s32 s7, s2  }
0x1e: {  	s7 =	smul.u32 @!p0 $0xF7A, s2;
	p2 =	seq.s32 @!p0 s5, $0x0  }
0x1f: {  	s9 =	smul.u32 $0xF7A, s1;
	s8 =	simm.s32 @!p0 $0x1BF5;
	p2 =	por !p2, p0  }
0x20: {  	[sflag:s8] =	ssyncset.s32 @!p0 $0xFFFFF086;
	s6 =	sadd.s32 @!p0 s3, s7;
	s7 =	simm.s32 @!p0 $0x108  }
0x21: {  	s3 =	sadd.s32 s3, s9;
	s6 =	sadd.s32 @!p0 $0x88, s6;
	s7 =	simm.s32 @p2 $0x1082  }
0x22: {  	[simem:s7], [sflag:s8] =	dma.local @!p0 [hbm:s6], $0xF7A  }
0x23: {  	s9 =	sor.u32 $0xD0000000, s2;
	s6 =	simm.s32 $0x108;
	_ =	swait.ge @!p0 [sflag:s8], $0x0  }
0x24: {  	s3 =	sadd.s32 $0x88, s3;
	s6 =	simm.s32 @!p1 $0x1082;
	[sflag:s4] =	ssyncset.s32 $0xFFFFF086  }
0x25: {  	[simem:s6], [sflag:s4] =	dma.local [hbm:s3], $0xF7A  }
0x26: {  	[smem:$0x3F94] =	sst s1;
	(tag) =	ssettag s2;
	_ =	strace s9  }
0x27: {  	s1 =	sld [smem:$0x3FA4]  }
0x28: {  	s2 =	sld [smem:$0x3FA5]  }
0x29: {  	s4 =	sld [smem:$0x3FA7]  }
0x2a: {  	p0 =	seq.s32 s5, $0x0;
	s5 =	sld [smem:$0x3FA8]  }
0x2b: {  	s6 =	sld [smem:$0x3FA9]  }
0x2c: {  	s7 =	sld [smem:$0x3FAA]  }
0x2d: {  	s3 =	simm.s32 $0x108;
	s8 =	sld [smem:$0x3FAB]  }
0x2e: {  	s3 =	simm.s32 @!p0 $0x1082;
	s9 =	sld [smem:$0x3FAC]  }
0x2f: {  	lr =	sadd.s32 s0, s3;
	s0 =	sld [smem:$0x3FA3]  }
0x30: {  	s3 =	sld [smem:$0x3FA6]  }
0x31: {  	[smem:$0x3FAF] =	sst s10  }
0x32: {  	s10 =	sld [smem:$0x3FAD];
	_ =	sdelay $0x3  }
0x33: {  	p0 =	seq.s32 s10, $0x1;
	s10 =	sld [smem:$0x3FAF];
	_ =	sdelay $0x3  }
0x34: {  	[smem:$0x3FAF] =	sst s10  }
0x35: {  	s10 =	sld [smem:$0x3FAE];
	_ =	sdelay $0x3  }
0x36: {  	p1 =	seq.s32 s10, $0x1;
	s10 =	sld [smem:$0x3FAF];
	_ =	sdelay $0x3  }
0x37: {  	[smem:$0x3FAF] =	sst s10  }
0x38: {  	s10 =	sld [smem:$0x3FB0]  }
0x39: {  	_ = 	snop;
	(pc) =	sbr.ind lr, $3  }
0x3a: {  	_ = 	snop  }
0x3b: {  	_ = 	snop  }
0x3c: {  	p2 =	seq.s32 s10, $0x1;
	s10 =	sld [smem:$0x3FAF]  }
0x3d: {  	_ =	shalt  }
0x3e: {  	_ =	shalt  }
0x3f: {  	_ =	shalt  }
0x40: {  	_ =	shalt  }
0x41: {  	_ =	shalt  }
0x42: {  	_ =	shalt  }
0x43: {  	_ =	shalt  }
0x44: {  	_ =	shalt  }
0x45: {  	_ =	shalt  }
0x46: {  	_ =	shalt  }
0x47: {  	_ =	shalt  }
0x48: {  	_ =	shalt  }
0x49: {  	_ =	shalt  }
0x4a: {  	_ =	shalt  }
0x4b: {  	_ =	shalt  }
0x4c: {  	_ =	shalt  }
0x4d: {  	_ =	shalt  }
0x4e: {  	_ =	shalt  }
0x4f: {  	_ =	shalt  }
0x50: {  	_ =	shalt  }
0x51: {  	_ =	shalt  }
0x52: {  	_ =	shalt  }
0x53: {  	_ =	shalt  }
0x54: {  	_ =	shalt  }
0x55: {  	_ =	shalt  }
0x56: {  	_ =	shalt  }
0x57: {  	_ =	shalt  }
0x58: {  	_ =	shalt  }
0x59: {  	_ =	shalt  }
0x5a: {  	_ =	shalt  }
0x5b: {  	_ =	shalt  }
0x5c: {  	_ =	shalt  }
0x5d: {  	_ =	shalt  }
0x5e: {  	_ =	shalt  }
0x5f: {  	_ =	shalt  }
0x60: {  	_ =	shalt  }
0x61: {  	_ =	shalt  }
0x62: {  	_ =	shalt  }
0x63: {  	_ =	shalt  }
0x64: {  	_ =	shalt  }
0x65: {  	_ =	shalt  }
0x66: {  	_ =	shalt  }
0x67: {  	_ =	shalt  }
0x68: {  	_ =	shalt  }
0x69: {  	_ =	shalt  }
0x6a: {  	_ =	shalt  }
0x6b: {  	_ =	shalt  }
0x6c: {  	_ =	shalt  }
0x6d: {  	_ =	shalt  }
0x6e: {  	_ =	shalt  }
0x6f: {  	_ =	shalt  }
0x70: {  	_ =	shalt  }
0x71: {  	_ =	shalt  }
0x72: {  	_ =	shalt  }
0x73: {  	_ =	shalt  }
0x74: {  	_ =	shalt  }
0x75: {  	_ =	shalt  }
0x76: {  	_ =	shalt  }
0x77: {  	_ =	shalt  }
0x78: {  	_ =	shalt  }
0x79: {  	_ =	shalt  }
0x7a: {  	_ =	shalt  }
0x7b: {  	_ =	shalt  }
0x7c: {  	_ =	shalt  }
0x7d: {  	_ =	shalt  }
0x7e: {  	_ =	shalt  }
0x7f: {  	_ =	shalt  }
0x80: {  	_ =	shalt  }
0x81: {  	_ =	shalt  }
0x82: {  	_ =	shalt  }
0x83: {  	_ =	shalt  }
0x84: {  	_ =	shalt  }
0x85: {  	_ =	shalt  }
0x86: {  	_ =	shalt  }
0x87: {  	_ =	shalt  }
.Lfunc_end0:
.L_simem_size_0:
called_computation.1_lowered:
.L_overlay_start_0:
0x88: {  	s2 =	sld [smem:$0x3FD9]  }
0x89: {  	s3 =	sld [smem:$0x3FFE];
	_ =	sdelay $0x1  }
0x8a: {  	s1 =	srdreg.scid  }
0x8b: {  	s0 =	sand.u32 $0x1, s1  }
0x8c: {  	s17 =	sshll.u32 s0, $0xA;
	s2 =	sadd.s32 s3, s2  }
0x8d: {  	s2 =	sadd.s32 s2, s17  }
0x8e: {  	[smem:$0x3FBB] =	sst s2  }
0x8f: {  	_ = 	snop  }
0x90: {  	s2 =	sld [smem:$0x3FD0];
	(tm) =	ssettm $0x1  }
0x91: {  	s18 =	sld [smem:$0x3FFB];
	_ =	sdelay $0x3  }
0x92: {  	_ =	strace s18  }
0x93: {  	s3 =	sld [smem:$0x3FFC];
	_ =	sdelay $0x3  }
0x94: {  	_ =	strace s3  }
0x95: {  	s3 =	sld [smem:$0x3FFD];
	_ =	sdelay $0x3  }
0x96: {  	_ =	strace s3  }
0x97: {  	_ =	strace $0x8FFFFFFF  }
0x98: {  	s19 =	sld [smem:$0x3FDB];
	_ =	sdelay $0x1  }
0x99: {  	s4 =	simm.s32 $_scs_section_size  }
0x9a: {  	s5 =	simm.s32 $_size__tile_overlayer_lowered;
	s6 =	simm.s32 $_tile_overlayer_lowered  }
0x9b: {  	s22 =	simm.s32 $0x1BFF;
	s21 =	sshll.u32 s6, $0x1;
	s3 =	sadd.s32 s4, s19  }
0x9c: {  	s7 =	simm.s32 $0x0;
	s20 =	sshll.u32 s5, $0x1;
	s5 =	sadd.s32 s21, s3  }
0x9d: {  	[timem:s7], [sflag:s22] =	dma.local [hbm:s5], s20  }
0x9e: {  	_ =	swait.ge [sflag:s22], s20  }
0x9f: {  	s4 =	ssub.s32 $0x0, s20;
	[sflag:s22] =	ssyncset.done $0x0  }
0xa0: {  	[sflag:s22] =	ssyncadd.s32 s4;
	_ =	sdelay $0x1  }
0xa1: {  	s23 =	simm.s32 $0x1B8B  }
0xa2: {  	_ =	swait.ge [sflag:s23], $0x1  }
0xa3: {  	[sflag:s23] =	ssyncset.done $0x0  }
0xa4: {  	s25 =	simm.s32 $0x1B8E;
	s24 =	sld [smem:$0x3FFE];
	[sflag:s23] =	ssyncadd.s32 $0xFFFFFFFF  }
0xa5: {  	s26 =	simm.s32 $execute0_lowered;
	[smem:$0x3FD2] =	sst s25  }
0xa6: {  	s5 =	sshll.u32 s26, $0x1;
	_ =	strace $0x80000049;
	[dreg:$0x1] =	wrdreg $0xFFFFFFFF  }
0xa7: {  	s28 =	simm.s32 $_size_execute0_lowered;
	s3 =	sadd.s32 s3, s5;
	[dreg:$0x0] =	wrdreg $0x0  }
0xa8: {  	s5 =	sshll.u32 s28, $0x1;
	[dreg:$0x2] =	wrdreg s3  }
0xa9: {  	[dreg:$0x3] =	wrdreg s5  }
0xaa: {  	[dreg:$0x4] =	wrdreg $0xC0  }
0xab: {  	_ =	task [dreg:s7], $0x5FFFF  }
0xac: {  	[dreg:$0x1] =	wrdreg $0xFFFFFFFF  }
0xad: {  	[dreg:$0x0] =	wrdreg $0x60  }
0xae: {  	[dreg:$0x2] =	wrdreg s24  }
0xaf: {  	[dreg:$0x3] =	wrdreg s2  }
0xb0: {  	[dreg:$0x4] =	wrdreg $0x164000  }
0xb1: {  	[dreg:$0x5] =	wrdreg $0x18C000  }
0xb2: {  	[dreg:$0x6] =	wrdreg $0x9  }
0xb3: {  	_ =	task.clear_ibuf [dreg:s7], $0x7FFFF;
	_ =	strace $0x90000049  }
0xb4: {  	s29 =	simm.s32 $0x9;
	_ =	strace $0x8000004B  }
0xb5: {  	_ =	swait.ge [sflag:s29], $0x1  }
0xb6: {  	[sflag:s29] =	ssyncadd.s32 $0xFFFFFFFF  }
0xb7: {  	_ =	strace $0x9000004B  }
0xb8: {  	_ =	sfence  }
0xb9: {  	s30 =	sld [smem:$0x0];
	_ =	sdelay $0x2  }
0xba: {  	s31 =	sshll.u32 s1, $0xD;
	s1 =	sshrl.u32 s1, $0x2  }
0xbb: {  	s3 =	sand.u32 $0x4000, s31;
	s1 =	sadd.s32 s1, s30  }
0xbc: {  	s0 =	sor.u32 s3, s0;
	s1 =	sshll.u32 s1, $0x11  }
0xbd: {  	s0 =	sor.u32 s1, s0  }
0xbe: {  	s0 =	sadd.s32 $0x8F2B, s0  }
0xbf: {  	[sflag:s0] =	ssyncadd.remote.s32 $0x1  }
0xc0: {  	_ =	sfence.sel $0xFFFF  }
0xc1: {  	[dreg:$0x0] =	wrdreg $0xFFFFFFFF;
	(pc) =	sbr.abs _section_cstart, $3  }
0xc2: {  	[dreg:$0x1] =	wrdreg $0xFFFFFFFF  }
0xc3: {  	_ =	task.clear_ibuf [dreg:s7], $0x2FFFF;
	_ =	strace $0x9FFFFFFF  }
0xc4: {  	(tm) =	ssettm $0x7FFFFFFF  }
0xc5: {  	_ =	shalt  }
tec
execute0_lowered:
.L_overlay_start_1:
0x0: {  	(tag) =	ssettag $0x1  }
0x1: {  	s0 =	rddreg [dreg:$0x0]  }
0x2: {  	s2 =	rddreg [dreg:$0x2]  }
0x3: {  	s3 =	rddreg [dreg:$0x3]  }
0x4: {  	s1 =	srdreg.scid;
	s28 =	stileid.u32  }
0x5: {  	s5 =	simm.s32 $0x0;
	s30 =	simm.s32 $0x1;
	s31 =	simm.s32 $0x1400  }
0x6: {  	s1 =	sand.u32 $0x1, s1;
	s7 =	smul.u32 $0x280, s28;
	[smem:$0x7FF] =	sst s5  }
0x7: {  	s26 =	sadd.s32 $0x39A00, s0;
	s10 =	sadd.s32 $0x3EA00, s0;
	s11 =	sadd.s32 $0x43A00, s0  }
0x8: {  	s12 =	sadd.s32 $0x48A00, s0;
	s13 =	sadd.s32 $0x4DA00, s0;
	s14 =	sadd.s32 $0x52A00, s0  }
0x9: {  	s15 =	sadd.s32 $0x57A00, s0;
	s16 =	sadd.s32 $0x5CA00, s0;
	s17 =	sadd.s32 $0x61A00, s0  }
0xa: {  	s18 =	sadd.s32 $0x66A00, s0;
	s19 =	sadd.s32 $0x6BA00, s0;
	s20 =	sadd.s32 $0x70A00, s0  }
0xb: {  	s21 =	sadd.s32 $0x75A00, s0;
	s22 =	sadd.s32 $0x7AA00, s0;
	s4 =	sshll.u32 s1, $0x4  }
0xc: {  	s6 =	smul.u32 $0x2800, s1;
	s1 =	ssub.s32 $0x2, s1;
	s4 =	sor.u32 s28, s4  }
0xd: {  	p0 =	sne.s32 s28, $0x0;
	s9 =	sshrl.u32 s1, $0x1;
	s4 =	smul.u32 $0x280, s4  }
0xe: {  	_ =	strace $0x8000004A;
	s6 =	sadd.s32 s7, s6;
	s1 =	ssub.s32 s1, s9  }
0xf: {  	s8 =	sshll.u32 s6, $0x1;
	s6 =	sadd.s32 $0x2A00, s0;
	s7 =	sadd.s32 s4, s0  }
0x10: {  	s8 =	sadd.s32 s8, s0;
	s0 =	sadd.s32 $0x7FA00, s0;
	s9 =	sadd.s32 s4, s26  }
0x11: {  	s23 =	sadd.s32 s4, s10;
	s24 =	sadd.s32 s4, s11;
	[dreg:$0x5] =	wrdreg s9  }
0x12: {  	s25 =	sadd.s32 s4, s12;
	s26 =	sadd.s32 s4, s13;
	[dreg:$0x6] =	wrdreg s23  }
0x13: {  	s10 =	sadd.s32 s4, s14;
	s11 =	sadd.s32 s4, s15;
	[dreg:$0x7] =	wrdreg s24  }
0x14: {  	s12 =	sadd.s32 s4, s16;
	s15 =	sadd.s32 s4, s17;
	[dreg:$0x8] =	wrdreg s25  }
0x15: {  	s16 =	sadd.s32 s4, s18;
	s17 =	sadd.s32 s4, s19;
	[dreg:$0x9] =	wrdreg s26  }
0x16: {  	s18 =	sadd.s32 s4, s20;
	s19 =	sadd.s32 s4, s21;
	[dreg:$0xa] =	wrdreg s10  }
0x17: {  	s20 =	sadd.s32 s4, s22;
	s13 =	smul.u32 $0x2800, s28;
	[dreg:$0xb] =	wrdreg s11  }
0x18: {  	[dreg:$0xc] =	wrdreg s12;
	s21 =	sadd.s32 s4, s0;
	s22 =	sadd.s32 $0x2FA00, s7  }
0x19: {  	s23 =	sadd.s32 $0x34A00, s7;
	s24 =	sadd.s32 $0x11A00, s8;
	s25 =	sadd.s32 $0x7A00, s8  }
0x1a: {  	s26 =	smax.u32 s1, $0x1;
	s1 =	simm.s32 $0x80;
	s4 =	simm.s32 $0x15400  }
0x1b: {  	v0 =	vlaneseq.u32;
	s7 =	simm.s32 $0x0;
	s14 =	sadd.s32 s13, s2;
	s0 =	sadd.s32 s13, s3  }
0x1c: {  	v0 =	vmul.u32 $0x1400, v0;
	s28 =	sshrl.u32 s14, $0x3;
	s29 =	sshrl.u32 s0, $0x3;
	s0 =	simm.s32 $0x15C00  }
.LBB2_1:
0x1d: {  	[tilespmem:s5], [sflag:$0x1] =	stream.linear.gather [hbm4b:s22+s5], $0x1400, $0x38;
	[tilespmem:$0x1B400] =	vst v63  }
0x1e: {  	_ =	swait.ge [sflag:s30], $0x1400  }
0x1f: {  	[sflag:s30] =	ssyncset.done $0x0  }
0x20: {  	[sflag:s30] =	ssyncadd.s32 $0xFFFFEC00  }
0x21: {  	[tilespmem:s31], [sflag:$0x1] =	stream.linear.gather [hbm4b:s23+s5], $0x1400, $0x38;
	[tilespmem:$0x1B400] =	vst v63  }
0x22: {  	_ =	swait.ge [sflag:s30], $0x1400  }
0x23: {  	[sflag:s30] =	ssyncset.done $0x0  }
0x24: {  	s9 =	simm.s32 $0x2800;
	s8 =	rddreg [dreg:$0x5];
	[sflag:s30] =	ssyncadd.s32 $0xFFFFEC00  }
0x25: {  	[tilespmem:s9], [sflag:$0x1] =	stream.linear.gather [hbm4b:s8+s5], $0x1400, $0x38;
	[tilespmem:$0x1B400] =	vst v63  }
0x26: {  	_ =	swait.ge [sflag:s30], $0x1400  }
0x27: {  	[sflag:s30] =	ssyncset.done $0x0  }
0x28: {  	s12 =	simm.s32 $0x3C00;
	s11 =	rddreg [dreg:$0x6];
	[sflag:s30] =	ssyncadd.s32 $0xFFFFEC00  }
0x29: {  	[tilespmem:s12], [sflag:$0x1] =	stream.linear.gather [hbm4b:s11+s5], $0x1400, $0x38;
	[tilespmem:$0x1B400] =	vst v63  }
0x2a: {  	_ =	swait.ge [sflag:s30], $0x1400  }
0x2b: {  	[sflag:s30] =	ssyncset.done $0x0  }
0x2c: {  	s14 =	simm.s32 $0x5000;
	s13 =	rddreg [dreg:$0x7];
	[sflag:s30] =	ssyncadd.s32 $0xFFFFEC00  }
0x2d: {  	[tilespmem:s14], [sflag:$0x1] =	stream.linear.gather [hbm4b:s13+s5], $0x1400, $0x38;
	[tilespmem:$0x1B400] =	vst v63  }
0x2e: {  	_ =	swait.ge [sflag:s30], $0x1400  }
0x2f: {  	[sflag:s30] =	ssyncset.done $0x0  }
0x30: {  	s10 =	simm.s32 $0x6400;
	s9 =	rddreg [dreg:$0x8];
	[sflag:s30] =	ssyncadd.s32 $0xFFFFEC00  }
0x31: {  	[tilespmem:s10], [sflag:$0x1] =	stream.linear.gather [hbm4b:s9+s5], $0x1400, $0x38;
	[tilespmem:$0x1B400] =	vst v63  }
0x32: {  	_ =	swait.ge [sflag:s30], $0x1400  }
0x33: {  	[sflag:s30] =	ssyncset.done $0x0  }
0x34: {  	s12 =	simm.s32 $0x7800;
	s11 =	rddreg [dreg:$0x9];
	[sflag:s30] =	ssyncadd.s32 $0xFFFFEC00  }
0x35: {  	[tilespmem:s12], [sflag:$0x1] =	stream.linear.gather [hbm4b:s11+s5], $0x1400, $0x38;
	[tilespmem:$0x1B400] =	vst v63  }
0x36: {  	_ =	swait.ge [sflag:s30], $0x1400  }
0x37: {  	[sflag:s30] =	ssyncset.done $0x0  }
0x38: {  	s14 =	simm.s32 $0x8C00;
	s13 =	rddreg [dreg:$0xa];
	[sflag:s30] =	ssyncadd.s32 $0xFFFFEC00  }
0x39: {  	[tilespmem:s14], [sflag:$0x1] =	stream.linear.gather [hbm4b:s13+s5], $0x1400, $0x38;
	[tilespmem:$0x1B400] =	vst v63  }
0x3a: {  	_ =	swait.ge [sflag:s30], $0x1400  }
0x3b: {  	[sflag:s30] =	ssyncset.done $0x0  }
0x3c: {  	s10 =	simm.s32 $0xA000;
	s9 =	rddreg [dreg:$0xb];
	[sflag:s30] =	ssyncadd.s32 $0xFFFFEC00  }
0x3d: {  	[tilespmem:s10], [sflag:$0x1] =	stream.linear.gather [hbm4b:s9+s5], $0x1400, $0x38;
	[tilespmem:$0x1B400] =	vst v63  }
0x3e: {  	_ =	swait.ge [sflag:s30], $0x1400  }
0x3f: {  	[sflag:s30] =	ssyncset.done $0x0  }
0x40: {  	s12 =	simm.s32 $0xB400;
	s11 =	rddreg [dreg:$0xc];
	[sflag:s30] =	ssyncadd.s32 $0xFFFFEC00  }
0x41: {  	[tilespmem:s12], [sflag:$0x1] =	stream.linear.gather [hbm4b:s11+s5], $0x1400, $0x38;
	[tilespmem:$0x1B400] =	vst v63  }
0x42: {  	_ =	swait.ge [sflag:s30], $0x1400  }
0x43: {  	[sflag:s30] =	ssyncset.done $0x0  }
0x44: {  	s13 =	simm.s32 $0xC800;
	[sflag:s30] =	ssyncadd.s32 $0xFFFFEC00  }
0x45: {  	[tilespmem:s13], [sflag:$0x1] =	stream.linear.gather [hbm4b:s15+s5], $0x1400, $0x38;
	[tilespmem:$0x1B400] =	vst v63  }
0x46: {  	_ =	swait.ge [sflag:s30], $0x1400  }
0x47: {  	[sflag:s30] =	ssyncset.done $0x0  }
0x48: {  	s14 =	simm.s32 $0xDC00;
	[sflag:s30] =	ssyncadd.s32 $0xFFFFEC00  }
0x49: {  	[tilespmem:s14], [sflag:$0x1] =	stream.linear.gather [hbm4b:s16+s5], $0x1400, $0x38;
	[tilespmem:$0x1B400] =	vst v63  }
0x4a: {  	_ =	swait.ge [sflag:s30], $0x1400  }
0x4b: {  	[sflag:s30] =	ssyncset.done $0x0  }
0x4c: {  	s9 =	simm.s32 $0xF000;
	[sflag:s30] =	ssyncadd.s32 $0xFFFFEC00  }
0x4d: {  	[tilespmem:s9], [sflag:$0x1] =	stream.linear.gather [hbm4b:s17+s5], $0x1400, $0x38;
	[tilespmem:$0x1B400] =	vst v63  }
0x4e: {  	_ =	swait.ge [sflag:s30], $0x1400  }
0x4f: {  	[sflag:s30] =	ssyncset.done $0x0  }
0x50: {  	s10 =	simm.s32 $0x10400;
	[sflag:s30] =	ssyncadd.s32 $0xFFFFEC00  }
0x51: {  	[tilespmem:s10], [sflag:$0x1] =	stream.linear.gather [hbm4b:s18+s5], $0x1400, $0x38;
	[tilespmem:$0x1B400] =	vst v63  }
0x52: {  	_ =	swait.ge [sflag:s30], $0x1400  }
0x53: {  	[sflag:s30] =	ssyncset.done $0x0  }
0x54: {  	s11 =	simm.s32 $0x11800;
	[sflag:s30] =	ssyncadd.s32 $0xFFFFEC00  }
0x55: {  	[tilespmem:s11], [sflag:$0x1] =	stream.linear.gather [hbm4b:s19+s5], $0x1400, $0x38;
	[tilespmem:$0x1B400] =	vst v63  }
0x56: {  	_ =	swait.ge [sflag:s30], $0x1400  }
0x57: {  	[sflag:s30] =	ssyncset.done $0x0  }
0x58: {  	s12 =	simm.s32 $0x12C00;
	[sflag:s30] =	ssyncadd.s32 $0xFFFFEC00  }
0x59: {  	[tilespmem:s12], [sflag:$0x1] =	stream.linear.gather [hbm4b:s20+s5], $0x1400, $0x38;
	[tilespmem:$0x1B400] =	vst v63  }
0x5a: {  	_ =	swait.ge [sflag:s30], $0x1400  }
0x5b: {  	[sflag:s30] =	ssyncset.done $0x0  }
0x5c: {  	s13 =	simm.s32 $0x14000;
	[sflag:s30] =	ssyncadd.s32 $0xFFFFEC00  }
0x5d: {  	[tilespmem:s13], [sflag:$0x1] =	stream.linear.gather [hbm4b:s21+s5], $0x1400, $0x38;
	[tilespmem:$0x1B400] =	vst v63  }
0x5e: {  	_ =	swait.ge [sflag:s30], $0x1400  }
0x5f: {  	[sflag:s30] =	ssyncset.done $0x0  }
0x60: {  	[sflag:s30] =	ssyncadd.s32 $0xFFFFEC00  }
0x61: {  	s14 =	rddreg [dreg:$0x1]  }
0x62: {  	[tilespmem:s0], [sflag:$0x1] =	stream.linear.gather [hbm4b:s14+s5], $0x800, $0x38;
	[tilespmem:$0x1B400] =	vst v63  }
0x63: {  	_ =	swait.ge [sflag:s30], $0x800  }
0x64: {  	[sflag:s30] =	ssyncset.done $0x0  }
0x65: {  	s8 =	sshrl.u32 @!p0 s2, $0x3;
	s9 =	simm.s32 @!p0 $0x1C01;
	[sflag:s30] =	ssyncadd.s32 $0xFFFFF800  }
0x66: {  	[spmem:s8], [sflag:s9] =	dma.local @!p0 [hbm:s6], $0x5000  }
0x67: {  	s8 =	simm.s32 @!p0 $0x1  }
0x68: {  	_ =	swait.ge @!p0 [sflag:s8], $0x5000  }
0x69: {  	[sflag:s8] =	ssyncset.done @!p0 $0x0  }
0x6a: {  	s10 =	sshrl.u32 @!p0 s3, $0x3;
	[sflag:s8] =	ssyncadd.s32 @!p0 $0xFFFFB000  }
0x6b: {  	[spmem:s10], [sflag:s9] =	dma.local @!p0 [hbm:s6], $0x5000  }
0x6c: {  	_ =	swait.ge @!p0 [sflag:s8], $0x5000  }
0x6d: {  	[sflag:s8] =	ssyncset.done @!p0 $0x0  }
0x6e: {  	[sflag:s8] =	ssyncadd.s32 @!p0 $0xFFFFB000  }
0x6f: {  	s9 =	simm.s32 $0x0;
	s8 =	simm.s32 $0x0;
	[bflag:$0x0] =	sbarrier.arrive $0xFFFF  }
.LBB2_2:
0x70: {  	v1 =	vmov s8  }
0x71: {  	v1 =	vand.u32 $0x1FFF, v1  }
0x72: {  	v1 =	vadd.s32 v0, v1;
	_ =	sdelay $0x3  }
0x73: {  	s12 =	sadd.s32 $0x1, s8  }
0x74: {  	s11 =	simm.s32 $0x0;
	s10 =	simm.s32 $0x40;
	s13 =	simm.s32 $0x80;
	v2 =	vmov s12;
	v1 =	vld.idx.msk [tilespmem:v1+s31+$0x0], $0xffff  }
.LBB2_3:
0x75: {  	p1 =	sne.s32 s13, $0x1FC0;
	v2 =	vand.u32 $0x1FFF, v2  }
0x76: {  	v3 =	vadd.s32 v0, v2  }
.Ltmp0:
0x77: {  	(pc) =	sbr.rel @p1 .LBB2_3-.Ltmp0, $4  }
0x78: {  	_ = 	snop  }
0x79: {  	s14 =	sshra.s32 s11, $0x2;
	s11 =	smov.u32 s10;
	s10 =	smov.u32 s13  }
0x7a: {  	s12 =	sadd.s32 $0x1, s12;
	[tilespmem:s14+$0x15400] =	vst v1  }
0x7b: {  	s13 =	sadd.s32 $0x40, s13;
	v2 =	vmov s12;
	v1 =	vld.idx.msk [tilespmem:v3+s31+$0x0], $0xffff  }
0x7c: {  	v2 =	vand.u32 $0x1FFF, v2  }
0x7d: {  	v2 =	vadd.s32 v0, v2;
	_ =	sdelay $0x2  }
0x7e: {  	s11 =	sshra.s32 s11, $0x2  }
0x7f: {  	[tilespmem:s11+$0x15400] =	vst v1  }
0x80: {  	v1 =	vld.idx.msk [tilespmem:v2+s31+$0x0], $0xffff;
	_ =	sdelay $0x3  }
0x81: {  	s10 =	sshra.s32 s10, $0x2;
	s13 =	sshll.u32 s9, $0x7  }
0x82: {  	s14 =	sand.u32 $0x3FFFFF80, s13;
	[tilespmem:s10+$0x15400] =	vst v1  }
0x83: {  	[spmem:s2] =	stream.indirect.scatter.add.f32 [tilespmem:s4], [sflag:$0x1], $0x10, s14, s1, $0xb8;
	[tilespmem:$0x1B400] =	vst v63  }
0x84: {  	s9 =	sadd.s32 $0x1, s9;
	_ =	swait.ge [sflag:s30], $0x800  }
0x85: {  	p1 =	sne.s32 s9, $0x28;
	[sflag:s30] =	ssyncset.done $0x0  }
.Ltmp1:
0x86: {  	[sflag:s30] =	ssyncadd.s32 $0xFFFFF800;
	(pc) =	sbr.rel @p1 .LBB2_2-.Ltmp1, $4  }
0x87: {  	[spmem:s3] =	stream.indirect.scatter.add.f32 [tilespmem:s0], [sflag:$0x1], $0x10, s14, s1, $0xb8;
	[tilespmem:$0x1B400] =	vst v63  }
0x88: {  	_ =	swait.ge [sflag:s30], $0x800  }
0x89: {  	[sflag:s30] =	ssyncset.done $0x0  }
0x8a: {  	s8 =	sadd.s32 $0x80, s8;
	[sflag:s30] =	ssyncadd.s32 $0xFFFFF800  }
0x8b: {  	s8 =	stileid.u32  }
0x8c: {  	s8 =	sshll.u32 s8, $0x6  }
0x8d: {  	[bflag:$0x0] =	sbarrier.arrive $0xFFFF;
	s8 =	sor.u32 $0x1C01, s8  }
0x8e: {  	[hbm:s24], [sflag:s8] =	dma.local [spmem:s28], $0x500  }
0x8f: {  	s7 =	sadd.s32 $0x1, s7;
	_ =	swait.ge [sflag:s30], $0x500  }
0x90: {  	p1 =	sne.s32 s7, s26;
	[sflag:s30] =	ssyncset.done $0x0  }
.Ltmp2:
0x91: {  	[sflag:s30] =	ssyncadd.s32 $0xFFFFFB00;
	(pc) =	sbr.rel @p1 .LBB2_1-.Ltmp2, $4  }
0x92: {  	[hbm:s25], [sflag:s8] =	dma.local [spmem:s29], $0x500  }
0x93: {  	_ =	swait.ge [sflag:s30], $0x500  }
0x94: {  	[sflag:s30] =	ssyncset.done $0x0  }
0x95: {  	[sflag:s30] =	ssyncadd.s32 $0xFFFFFB00  }
0x96: {  	_ =	sfence.sel $0x180000  }
0x97: {  	[bflag:$0x0] =	sbarrier.arrive $0xFFFF  }
0x98: {  	_ =	strace $0x9000004A  }
0x99: {  	[bflag:$0x2] =	sbarrier.arrive $0xFFFF  }
0x9a: {  	s0 =	rddreg [dreg:$0x4]  }
0x9b: {  	s0 =	sadd.s32 @!p0 $0x100000, s0  }
0x9c: {  	[sflag:s0] =	ssyncadd.tile.s32 @!p0 $0x1;
	_ =	shalt  }
.Lfunc_end2:
_tile_overlayer_lowered:
.L_overlay_start_2:
0x9d: {  	(tag) =	ssettag $0x2  }
0x9e: {  	s0 =	rddreg [dreg:$0x0];
	s2 =	stileid.u32  }
0x9f: {  	s1 =	rddreg [dreg:$0x1];
	p0 =	sne.s32 s2, $0x0  }
0xa0: {  	s3 =	rddreg [dreg:$0x2];
	[bflag:$0x3] =	sbarrier.arrive $0xFFFF;
	s2 =	simm.s32 @!p0 $0x1C01  }
0xa1: {  	[timem:s3], [sflag:s2] =	dma.local @!p0 [hbm:s0], s1  }
0xa2: {  	s0 =	simm.s32 @!p0 $0x1  }
0xa3: {  	_ =	swait.ge @!p0 [sflag:s0], s1  }
0xa4: {  	s1 =	ssub.s32 @!p0 $0x0, s1;
	[sflag:s0] =	ssyncset.done @!p0 $0x0  }
0xa5: {  	[sflag:s0] =	ssyncadd.s32 @!p0 s1  }
0xa6: {  	[bflag:$0x3] =	sbarrier.arrive $0xFFFF  }
0xa7: {  	_ =	shalt  }

</sc_bundles>
